<compile_context>
chip_gen: v7x
topology: tpu7x:2x2x1
jax: 0.10.2.dev20260603
libtpu: 0.0.44.dev20260713+nightly
codegen_flags: <defaults>
</compile_context>

<pallas_src>
import functools

import jax
import jax.numpy as jnp
from jax import lax
from jax.experimental import pallas as pl
from jax.experimental.pallas import tpu as pltpu
from jax.experimental.pallas import tpu_sc as plsc

B = 8
N = 2048
P = B * N
K = 20
RT = 1024
MT = 2048



def _topk_body(x_ref, xt_ref, out_ref):
    b = pl.program_id(0)
    xr = x_ref[0]
    xa = xt_ref[0]
    inner = jnp.dot(xr * -2.0, xa, preferred_element_type=jnp.float32)
    sqa = jnp.sum(xa * xa, axis=0, keepdims=True)
    a = sqa + inner
    ai = (a * jnp.float32(2.0 ** 22)).astype(jnp.int32)
    iota = lax.broadcasted_iota(jnp.int32, (RT, N), 1)
    s = (ai & jnp.int32(-2048)) | iota
    imax = jnp.int32(2 ** 31 - 1)
    for j in range(K):
        m = jnp.min(s, axis=1, keepdims=True)
        out_ref[0, :, j:j + 1] = (m & 2047) + b * N
        s = jnp.where(s == m, imax, s)


def _topk(x, xt):
    return pl.pallas_call(
        _topk_body,
        grid=(B, N // RT),
        in_specs=[
            pl.BlockSpec((1, RT, 3), lambda b, t: (b, t, 0)),
            pl.BlockSpec((1, 3, N), lambda b, t: (b, 0, 0)),
        ],
        out_specs=pl.BlockSpec((1, RT, K), lambda b, t: (b, t, 0)),
        out_shape=jax.ShapeDtypeStruct((B, N, K), jnp.int32),
    )(x, xt)



def _make_sc_gather(C):
    info = plsc.get_sparse_core_info()
    nw = info.num_cores * info.num_subcores
    tot = 3 * P * K
    per_w = tot // nw
    G = 128
    SB = 8
    MAC = G * SB
    n_mac = per_w // MAC
    mesh = plsc.VectorSubcoreMesh(core_axis_name="c", subcore_axis_name="s")

    @functools.partial(
        pl.kernel,
        out_type=jax.ShapeDtypeStruct((tot, C), jnp.float32),
        mesh=mesh,
        scratch_types=[
            pltpu.VMEM((SB, G), jnp.int32),
            pltpu.VMEM((MAC, C), jnp.float32),
            pltpu.SemaphoreType.DMA,
        ],
        compiler_params=pltpu.CompilerParams(use_tc_tiling_on_sc=False),
    )
    def gather_kernel(table, gidx2, out, idx_v, rows_v, sem):
        cid = lax.axis_index("c")
        sid = lax.axis_index("s")
        wid = sid * info.num_cores + cid
        row0 = pl.multiple_of(wid * (per_w // G), SB)

        def step(g, carry):
            r = pl.multiple_of(row0 + g * SB, SB)
            pltpu.sync_copy(gidx2.at[pl.ds(r, SB)], idx_v)
            copies = [
                pltpu.async_copy(
                    table.at[idx_v.at[i]],
                    rows_v.at[pl.ds(i * G, G)],
                    sem,
                )
                for i in range(SB)
            ]
            for c in copies:
                c.wait()
            base = pl.multiple_of((row0 + g * SB) * G, MAC)
            pltpu.sync_copy(rows_v, out.at[pl.ds(base, MAC)])
            return carry

        lax.fori_loop(0, n_mac, step, 0)

    def run(table, gidx):
        return gather_kernel(table, gidx.reshape(tot // G, G))

    return run



def _wfm_matmul(fnb, w):
    o, kc = w.shape
    rows = fnb.shape[1]

    def body(f_ref, w_ref, out_ref):
        ws = jax.nn.softmax(w_ref[...], axis=-1)
        f = f_ref[0]
        out_ref[0] = lax.dot_general(
            f, ws, (((1,), (1,)), ((), ())),
            preferred_element_type=jnp.float32)

    return pl.pallas_call(
        body,
        grid=(3, rows // MT),
        in_specs=[
            pl.BlockSpec((1, MT, kc), lambda d, t: (d, t, 0)),
            pl.BlockSpec((o, kc), lambda d, t: (0, 0)),
        ],
        out_specs=pl.BlockSpec((1, MT, o), lambda d, t: (d, t, 0)),
        out_shape=jax.ShapeDtypeStruct((3, rows, o), jnp.float32),
    )(fnb, w)



def _head_body(f_ref, mut_ref, fc_ref, out_ref):
    f = f_ref[...]
    c = f.shape[-1]
    s = jnp.sum(f.reshape(3, B, N, c), axis=2) * (1.0 / N)
    delta = s - mut_ref[...][:, None, :]
    g = jnp.sqrt(jnp.sum(delta * delta, axis=0) + 1e-8)
    out_ref[...] = jnp.dot(g, fc_ref[...],
                           preferred_element_type=jnp.float32)


def _head(f3, mut, fc):
    return pl.pallas_call(
        _head_body,
        out_shape=jax.ShapeDtypeStruct((B, fc.shape[1]), jnp.float32),
    )(f3, mut, fc)



_NEG = -1.0e30


def _pad_w(w, c, cpad, opad):
    o = w.shape[0]
    w3 = w.reshape(o, K, c)
    w3 = jnp.pad(w3, ((0, opad - o), (0, 0), (0, cpad - c)),
                 constant_values=_NEG)
    return w3.reshape(opad, K * cpad)


def kernel(x, W1, W2, W3, mu, fc):
    xt = jnp.transpose(x, (0, 2, 1))
    idx = _topk(x, xt)

    flat = idx.reshape(P * K)
    gidx = (flat[None, :] + (jnp.arange(3, dtype=jnp.int32) * P)[:, None])
    gidx = gidx.reshape(3 * P * K)

    t0 = jnp.pad(x.reshape(P, 3).T.reshape(3 * P, 1), ((0, 0), (0, 15)))

    w1p = _pad_w(W1, 1, 16, 16)
    w2p = _pad_w(W2, 10, 16, 32)
    w3p = _pad_w(W3, 20, 32, 32)
    mutp = jnp.pad(mu.T, ((0, 0), (0, 2)))
    fcp = jnp.pad(fc, ((0, 2), (0, 0)))

    f1 = _make_sc_gather(16)(t0, gidx)
    g1 = _wfm_matmul(f1.reshape(3, P, K * 16), w1p)

    f2 = _make_sc_gather(16)(g1.reshape(3 * P, 16), gidx)
    g2 = _wfm_matmul(f2.reshape(3, P, K * 16), w2p)

    f3 = _make_sc_gather(32)(g2.reshape(3 * P, 32), gidx)
    g3 = _wfm_matmul(f3.reshape(3, P, K * 32), w3p)

    return _head(g3, mutp, fcp)

# --- scband reference (transcript-rebuilt; emitter-appended) ---
"""Pipeline reference for scband-manifold-net-34299608826124 (READ-ONLY COPY).

The authoritative reference and input builder live on the scoring server;
editing this copy changes nothing except your own understanding.
"""

import jax, jax.numpy as jnp
import numpy as np

NUM_CLASSES = 40
K = 20


def pairwise_distance(x):
    # x: [B, N, 3] -> squared euclidean distance matrix [B, N, N]
    inner = -2.0 * jnp.einsum('bnd,bmd->bnm', x, x)
    sq = jnp.sum(x * x, axis=-1)
    return sq[:, :, None] + inner + sq[:, None, :]


def wfm(f, idx, W):
    # weighted Frechet-mean layer (convex combination of k-NN features)
    # f: [B, N, C, 3], idx: [B, N, K] int, W: [O, K*C]
    B, N, C, D = f.shape
    k = idx.shape[-1]
    fnb = f[jnp.arange(B)[:, None, None], idx]      # gather: [B, N, K, C, 3]
    fnb = fnb.reshape(B, N, k * C, D)
    w = jax.nn.softmax(W, axis=-1)                  # convex weights per out-channel
    return jnp.einsum('bnmd,om->bnod', fnb, w)      # [B, N, O, 3]


def setup_inputs(seed: int = 0) -> dict:
    key = jax.random.key(seed)
    ks = jax.random.split(key, 6)
    B, N = 8, 2048
    x = jax.random.normal(ks[0], (B, N, 3), dtype=jnp.float32)
    W1 = jax.random.normal(ks[1], (10, K * 1), dtype=jnp.float32) * 0.1
    W2 = jax.random.normal(ks[2], (20, K * 10), dtype=jnp.float32) * 0.1
    W3 = jax.random.normal(ks[3], (30, K * 20), dtype=jnp.float32) * 0.1
    mu = jax.random.normal(ks[4], (30, 3), dtype=jnp.float32)
    fc = jax.random.normal(ks[5], (30, NUM_CLASSES), dtype=jnp.float32) * 0.1
    return {"x": x, "W1": W1, "W2": W2, "W3": W3, "mu": mu, "fc": fc}


def reference(x, W1, W2, W3, mu, fc):
    # adjacency from pairwise distances, single kNN neighborhood reused by all wFM layers
    adj = pairwise_distance(x)
    _, idx = jax.lax.top_k(-adj, K)                 # [B, N, K] nearest neighbors
    f = x[:, :, None, :]                            # [B, N, 1, 3]
    f = wfm(f, idx, W1)                             # [B, N, 10, 3]
    f = wfm(f, idx, W2)                             # [B, N, 20, 3]
    f = wfm(f, idx, W3)                             # [B, N, 30, 3]
    # Last layer: global FM (mean) per channel, geodesic-style distance to learned points, FC
    m = jnp.mean(f, axis=1)                         # [B, 30, 3]
    d = jnp.sqrt(jnp.sum((m - mu[None]) ** 2, axis=-1) + 1e-8)  # [B, 30]
    return d @ fc                                   # [B, NUM_CLASSES]

if __name__ == "__main__":
    import jax
    _d = setup_inputs()
    print(jax.jit(kernel)(*tuple(_d.values())))

</pallas_src>

<mosaic_0001>
#map = affine_map<(d0, d1) -> (0, 0)>
module attributes {stable_mosaic.version = 14 : i64} {
  func.func @gather_kernel(%arg0: i32, %arg1: i32, %arg2: memref<49152x16xf32, #tpu.memory_space<hbm>>, %arg3: memref<7680x128xi32, #tpu.memory_space<hbm>>, %arg4: memref<983040x16xf32, #tpu.memory_space<hbm>>, %arg5: memref<8x128xi32, #tpu.memory_space<vmem>>, %arg6: memref<1024x16xf32, #tpu.memory_space<vmem>>, %arg7: memref<!tpu.dma_semaphore, #tpu.memory_space<semaphore_mem>>) attributes {dimension_semantics = [#tpu.dimension_semantics<core_parallel>, #tpu.dimension_semantics<subcore_parallel>], iteration_bounds = array<i64: 2, 16>, scalar_prefetch = 0 : i64, scratch_operands = 3 : i64, tpu.core_type = #tpu.core_type<sc_vector_subcore>, window_params = [{transform_indices = #map}, {transform_indices = #map}, {transform_indices = #map}]} {
    %mul3A = arith.constant 2 : i32
    %mul3A_0 = arith.muli %arg1, %mul3A : i32
    %add3A = arith.addi %mul3A_0, %arg0 : i32
    %mul3A_1 = arith.constant 240 : i32
    %mul3A_2 = arith.muli %add3A, %mul3A_1 : i32
    %multiple_of3A = tpu.assume_multiple %mul3A_2, 8 : i32
    %scan3A = arith.constant 0 : i32
    %scan3A_3 = arith.constant 0 : i32
    %scan3A_4 = arith.constant 30 : i32
    %scan3A_5 = arith.addi %scan3A_3, %scan3A_4 : i32
    %scan3A_6 = arith.constant 1 : i32
    scf.for %scan3A_8 = %scan3A_3 to %scan3A_5 step %scan3A_6  : i32 {
      %mul3A_9 = arith.constant 8 : i32
      %mul3A_10 = arith.muli %scan3A_8, %mul3A_9 : i32
      %add3A_11 = arith.addi %multiple_of3A, %mul3A_10 : i32
      %multiple_of3A_12 = tpu.assume_multiple %add3A_11, 8 : i32
      "tpu.region"() ({
        %run_scoped3A = tpu.sem_alloc : memref<!tpu.dma_semaphore, #tpu.memory_space<semaphore_mem>>
        %dma_start3A_177 = arith.constant 0 : i32
        %dma_start3A_178 = tpu.memref_slice %arg3[%multiple_of3A_12, %dma_start3A_177] : memref<7680x128xi32, #tpu.memory_space<hbm>> -> memref<8x128xi32, #tpu.memory_space<hbm>>
        %dma_start3A_179 = arith.constant 0 : i32
        %dma_start3A_180 = tpu.memref_slice %arg3[%multiple_of3A_12, %dma_start3A_179] : memref<7680x128xi32, #tpu.memory_space<hbm>> -> memref<8x128xi32, #tpu.memory_space<hbm>>
        tpu.enqueue_dma source(%dma_start3A_180 : memref<8x128xi32, #tpu.memory_space<hbm>>) target(%arg5 : memref<8x128xi32, #tpu.memory_space<vmem>>) target_semaphore(%run_scoped3A : memref<!tpu.dma_semaphore, #tpu.memory_space<semaphore_mem>>)
        %dma_wait3A_181 = arith.constant 0 : i32
        %dma_wait3A_182 = tpu.memref_slice %arg3[%multiple_of3A_12, %dma_wait3A_181] : memref<7680x128xi32, #tpu.memory_space<hbm>> -> memref<8x128xi32, #tpu.memory_space<hbm>>
        %dma_wait3A_183 = arith.constant 0 : i32
        %dma_wait3A_184 = tpu.memref_slice %arg3[%multiple_of3A_12, %dma_wait3A_183] : memref<7680x128xi32, #tpu.memory_space<hbm>> -> memref<8x128xi32, #tpu.memory_space<hbm>>
        tpu.wait_dma2 semaphore(%run_scoped3A : memref<!tpu.dma_semaphore, #tpu.memory_space<semaphore_mem>>) src(%dma_wait3A_184 : memref<8x128xi32, #tpu.memory_space<hbm>>) dst(%arg5 : memref<8x128xi32, #tpu.memory_space<vmem>>)
        tpu.yield
      }) : () -> ()
      %dma_start3A = arith.constant 0 : i32
      %dma_start3A_13 = arith.constant 0 : i32
      %dma_start3A_14 = arith.constant 0 : i32
      %dma_start3A_15 = tpu.memref_slice %arg6[%dma_start3A_13, %dma_start3A_14] : memref<1024x16xf32, #tpu.memory_space<vmem>> -> memref<128x16xf32, #tpu.memory_space<vmem>>
      %dma_start3A_16 = arith.constant 0 : i32
      %dma_start3A_17 = tpu.memref_slice %arg5[%dma_start3A, %dma_start3A_16] : memref<8x128xi32, #tpu.memory_space<vmem>> -> memref<1x128xi32, #tpu.memory_space<vmem>>
      %dma_start3A_18 = tpu.memref_squeeze %dma_start3A_17 : memref<1x128xi32, #tpu.memory_space<vmem>> -> memref<128xi32, #tpu.memory_space<vmem>>
      %dma_start3A_19 = arith.constant 0 : i32
      %dma_start3A_20 = arith.constant 0 : i32
      %dma_start3A_21 = tpu.memref_slice %arg2[%dma_start3A_19, %dma_start3A_20] : memref<49152x16xf32, #tpu.memory_space<hbm>> -> memref<49152x16xf32, #tpu.memory_space<hbm>>
      tpu.enqueue_indirect_dma source(%dma_start3A_21 : memref<49152x16xf32, #tpu.memory_space<hbm>>) target(%dma_start3A_15 : memref<128x16xf32, #tpu.memory_space<vmem>>) offsets(%dma_start3A_18 : memref<128xi32, #tpu.memory_space<vmem>>) semaphore(%arg7 : memref<!tpu.dma_semaphore, #tpu.memory_space<semaphore_mem>>)
      %dma_start3A_22 = arith.constant 1 : i32
      %dma_start3A_23 = arith.constant 128 : i32
      %dma_start3A_24 = arith.constant 0 : i32
      %dma_start3A_25 = tpu.memref_slice %arg6[%dma_start3A_23, %dma_start3A_24] : memref<1024x16xf32, #tpu.memory_space<vmem>> -> memref<128x16xf32, #tpu.memory_space<vmem>>
      %dma_start3A_26 = arith.constant 0 : i32
      %dma_start3A_27 = tpu.memref_slice %arg5[%dma_start3A_22, %dma_start3A_26] : memref<8x128xi32, #tpu.memory_space<vmem>> -> memref<1x128xi32, #tpu.memory_space<vmem>>
      %dma_start3A_28 = tpu.memref_squeeze %dma_start3A_27 : memref<1x128xi32, #tpu.memory_space<vmem>> -> memref<128xi32, #tpu.memory_space<vmem>>
      %dma_start3A_29 = arith.constant 0 : i32
      %dma_start3A_30 = arith.constant 0 : i32
      %dma_start3A_31 = tpu.memref_slice %arg2[%dma_start3A_29, %dma_start3A_30] : memref<49152x16xf32, #tpu.memory_space<hbm>> -> memref<49152x16xf32, #tpu.memory_space<hbm>>
      tpu.enqueue_indirect_dma source(%dma_start3A_31 : memref<49152x16xf32, #tpu.memory_space<hbm>>) target(%dma_start3A_25 : memref<128x16xf32, #tpu.memory_space<vmem>>) offsets(%dma_start3A_28 : memref<128xi32, #tpu.memory_space<vmem>>) semaphore(%arg7 : memref<!tpu.dma_semaphore, #tpu.memory_space<semaphore_mem>>)
      %dma_start3A_32 = arith.constant 2 : i32
      %dma_start3A_33 = arith.constant 256 : i32
      %dma_start3A_34 = arith.constant 0 : i32
      %dma_start3A_35 = tpu.memref_slice %arg6[%dma_start3A_33, %dma_start3A_34] : memref<1024x16xf32, #tpu.memory_space<vmem>> -> memref<128x16xf32, #tpu.memory_space<vmem>>
      %dma_start3A_36 = arith.constant 0 : i32
      %dma_start3A_37 = tpu.memref_slice %arg5[%dma_start3A_32, %dma_start3A_36] : memref<8x128xi32, #tpu.memory_space<vmem>> -> memref<1x128xi32, #tpu.memory_space<vmem>>
      %dma_start3A_38 = tpu.memref_squeeze %dma_start3A_37 : memref<1x128xi32, #tpu.memory_space<vmem>> -> memref<128xi32, #tpu.memory_space<vmem>>
      %dma_start3A_39 = arith.constant 0 : i32
      %dma_start3A_40 = arith.constant 0 : i32
      %dma_start3A_41 = tpu.memref_slice %arg2[%dma_start3A_39, %dma_start3A_40] : memref<49152x16xf32, #tpu.memory_space<hbm>> -> memref<49152x16xf32, #tpu.memory_space<hbm>>
      tpu.enqueue_indirect_dma source(%dma_start3A_41 : memref<49152x16xf32, #tpu.memory_space<hbm>>) target(%dma_start3A_35 : memref<128x16xf32, #tpu.memory_space<vmem>>) offsets(%dma_start3A_38 : memref<128xi32, #tpu.memory_space<vmem>>) semaphore(%arg7 : memref<!tpu.dma_semaphore, #tpu.memory_space<semaphore_mem>>)
      %dma_start3A_42 = arith.constant 3 : i32
      %dma_start3A_43 = arith.constant 384 : i32
      %dma_start3A_44 = arith.constant 0 : i32
      %dma_start3A_45 = tpu.memref_slice %arg6[%dma_start3A_43, %dma_start3A_44] : memref<1024x16xf32, #tpu.memory_space<vmem>> -> memref<128x16xf32, #tpu.memory_space<vmem>>
      %dma_start3A_46 = arith.constant 0 : i32
      %dma_start3A_47 = tpu.memref_slice %arg5[%dma_start3A_42, %dma_start3A_46] : memref<8x128xi32, #tpu.memory_space<vmem>> -> memref<1x128xi32, #tpu.memory_space<vmem>>
      %dma_start3A_48 = tpu.memref_squeeze %dma_start3A_47 : memref<1x128xi32, #tpu.memory_space<vmem>> -> memref<128xi32, #tpu.memory_space<vmem>>
      %dma_start3A_49 = arith.constant 0 : i32
      %dma_start3A_50 = arith.constant 0 : i32
      %dma_start3A_51 = tpu.memref_slice %arg2[%dma_start3A_49, %dma_start3A_50] : memref<49152x16xf32, #tpu.memory_space<hbm>> -> memref<49152x16xf32, #tpu.memory_space<hbm>>
      tpu.enqueue_indirect_dma source(%dma_start3A_51 : memref<49152x16xf32, #tpu.memory_space<hbm>>) target(%dma_start3A_45 : memref<128x16xf32, #tpu.memory_space<vmem>>) offsets(%dma_start3A_48 : memref<128xi32, #tpu.memory_space<vmem>>) semaphore(%arg7 : memref<!tpu.dma_semaphore, #tpu.memory_space<semaphore_mem>>)
      %dma_start3A_52 = arith.constant 4 : i32
      %dma_start3A_53 = arith.constant 512 : i32
      %dma_start3A_54 = arith.constant 0 : i32
      %dma_start3A_55 = tpu.memref_slice %arg6[%dma_start3A_53, %dma_start3A_54] : memref<1024x16xf32, #tpu.memory_space<vmem>> -> memref<128x16xf32, #tpu.memory_space<vmem>>
      %dma_start3A_56 = arith.constant 0 : i32
      %dma_start3A_57 = tpu.memref_slice %arg5[%dma_start3A_52, %dma_start3A_56] : memref<8x128xi32, #tpu.memory_space<vmem>> -> memref<1x128xi32, #tpu.memory_space<vmem>>
      %dma_start3A_58 = tpu.memref_squeeze %dma_start3A_57 : memref<1x128xi32, #tpu.memory_space<vmem>> -> memref<128xi32, #tpu.memory_space<vmem>>
      %dma_start3A_59 = arith.constant 0 : i32
      %dma_start3A_60 = arith.constant 0 : i32
      %dma_start3A_61 = tpu.memref_slice %arg2[%dma_start3A_59, %dma_start3A_60] : memref<49152x16xf32, #tpu.memory_space<hbm>> -> memref<49152x16xf32, #tpu.memory_space<hbm>>
      tpu.enqueue_indirect_dma source(%dma_start3A_61 : memref<49152x16xf32, #tpu.memory_space<hbm>>) target(%dma_start3A_55 : memref<128x16xf32, #tpu.memory_space<vmem>>) offsets(%dma_start3A_58 : memref<128xi32, #tpu.memory_space<vmem>>) semaphore(%arg7 : memref<!tpu.dma_semaphore, #tpu.memory_space<semaphore_mem>>)
      %dma_start3A_62 = arith.constant 5 : i32
      %dma_start3A_63 = arith.constant 640 : i32
      %dma_start3A_64 = arith.constant 0 : i32
      %dma_start3A_65 = tpu.memref_slice %arg6[%dma_start3A_63, %dma_start3A_64] : memref<1024x16xf32, #tpu.memory_space<vmem>> -> memref<128x16xf32, #tpu.memory_space<vmem>>
      %dma_start3A_66 = arith.constant 0 : i32
      %dma_start3A_67 = tpu.memref_slice %arg5[%dma_start3A_62, %dma_start3A_66] : memref<8x128xi32, #tpu.memory_space<vmem>> -> memref<1x128xi32, #tpu.memory_space<vmem>>
      %dma_start3A_68 = tpu.memref_squeeze %dma_start3A_67 : memref<1x128xi32, #tpu.memory_space<vmem>> -> memref<128xi32, #tpu.memory_space<vmem>>
      %dma_start3A_69 = arith.constant 0 : i32
      %dma_start3A_70 = arith.constant 0 : i32
      %dma_start3A_71 = tpu.memref_slice %arg2[%dma_start3A_69, %dma_start3A_70] : memref<49152x16xf32, #tpu.memory_space<hbm>> -> memref<49152x16xf32, #tpu.memory_space<hbm>>
      tpu.enqueue_indirect_dma source(%dma_start3A_71 : memref<49152x16xf32, #tpu.memory_space<hbm>>) target(%dma_start3A_65 : memref<128x16xf32, #tpu.memory_space<vmem>>) offsets(%dma_start3A_68 : memref<128xi32, #tpu.memory_space<vmem>>) semaphore(%arg7 : memref<!tpu.dma_semaphore, #tpu.memory_space<semaphore_mem>>)
      %dma_start3A_72 = arith.constant 6 : i32
      %dma_start3A_73 = arith.constant 768 : i32
      %dma_start3A_74 = arith.constant 0 : i32
      %dma_start3A_75 = tpu.memref_slice %arg6[%dma_start3A_73, %dma_start3A_74] : memref<1024x16xf32, #tpu.memory_space<vmem>> -> memref<128x16xf32, #tpu.memory_space<vmem>>
      %dma_start3A_76 = arith.constant 0 : i32
      %dma_start3A_77 = tpu.memref_slice %arg5[%dma_start3A_72, %dma_start3A_76] : memref<8x128xi32, #tpu.memory_space<vmem>> -> memref<1x128xi32, #tpu.memory_space<vmem>>
      %dma_start3A_78 = tpu.memref_squeeze %dma_start3A_77 : memref<1x128xi32, #tpu.memory_space<vmem>> -> memref<128xi32, #tpu.memory_space<vmem>>
      %dma_start3A_79 = arith.constant 0 : i32
      %dma_start3A_80 = arith.constant 0 : i32
      %dma_start3A_81 = tpu.memref_slice %arg2[%dma_start3A_79, %dma_start3A_80] : memref<49152x16xf32, #tpu.memory_space<hbm>> -> memref<49152x16xf32, #tpu.memory_space<hbm>>
      tpu.enqueue_indirect_dma source(%dma_start3A_81 : memref<49152x16xf32, #tpu.memory_space<hbm>>) target(%dma_start3A_75 : memref<128x16xf32, #tpu.memory_space<vmem>>) offsets(%dma_start3A_78 : memref<128xi32, #tpu.memory_space<vmem>>) semaphore(%arg7 : memref<!tpu.dma_semaphore, #tpu.memory_space<semaphore_mem>>)
      %dma_start3A_82 = arith.constant 7 : i32
      %dma_start3A_83 = arith.constant 896 : i32
      %dma_start3A_84 = arith.constant 0 : i32
      %dma_start3A_85 = tpu.memref_slice %arg6[%dma_start3A_83, %dma_start3A_84] : memref<1024x16xf32, #tpu.memory_space<vmem>> -> memref<128x16xf32, #tpu.memory_space<vmem>>
      %dma_start3A_86 = arith.constant 0 : i32
      %dma_start3A_87 = tpu.memref_slice %arg5[%dma_start3A_82, %dma_start3A_86] : memref<8x128xi32, #tpu.memory_space<vmem>> -> memref<1x128xi32, #tpu.memory_space<vmem>>
      %dma_start3A_88 = tpu.memref_squeeze %dma_start3A_87 : memref<1x128xi32, #tpu.memory_space<vmem>> -> memref<128xi32, #tpu.memory_space<vmem>>
      %dma_start3A_89 = arith.constant 0 : i32
      %dma_start3A_90 = arith.constant 0 : i32
      %dma_start3A_91 = tpu.memref_slice %arg2[%dma_start3A_89, %dma_start3A_90] : memref<49152x16xf32, #tpu.memory_space<hbm>> -> memref<49152x16xf32, #tpu.memory_space<hbm>>
      tpu.enqueue_indirect_dma source(%dma_start3A_91 : memref<49152x16xf32, #tpu.memory_space<hbm>>) target(%dma_start3A_85 : memref<128x16xf32, #tpu.memory_space<vmem>>) offsets(%dma_start3A_88 : memref<128xi32, #tpu.memory_space<vmem>>) semaphore(%arg7 : memref<!tpu.dma_semaphore, #tpu.memory_space<semaphore_mem>>)
      %dma_wait3A = arith.constant 0 : i32
      %dma_wait3A_92 = arith.constant 0 : i32
      %dma_wait3A_93 = arith.constant 0 : i32
      %dma_wait3A_94 = tpu.memref_slice %arg6[%dma_wait3A_92, %dma_wait3A_93] : memref<1024x16xf32, #tpu.memory_space<vmem>> -> memref<128x16xf32, #tpu.memory_space<vmem>>
      %dma_wait3A_95 = arith.constant 0 : i32
      %dma_wait3A_96 = tpu.memref_slice %arg5[%dma_wait3A, %dma_wait3A_95] : memref<8x128xi32, #tpu.memory_space<vmem>> -> memref<1x128xi32, #tpu.memory_space<vmem>>
      %dma_wait3A_97 = tpu.memref_squeeze %dma_wait3A_96 : memref<1x128xi32, #tpu.memory_space<vmem>> -> memref<128xi32, #tpu.memory_space<vmem>>
      %dma_wait3A_98 = arith.constant 0 : i32
      %dma_wait3A_99 = arith.constant 0 : i32
      %dma_wait3A_100 = tpu.memref_slice %arg2[%dma_wait3A_98, %dma_wait3A_99] : memref<49152x16xf32, #tpu.memory_space<hbm>> -> memref<49152x16xf32, #tpu.memory_space<hbm>>
      tpu.wait_indirect_dma semaphore(%arg7 : memref<!tpu.dma_semaphore, #tpu.memory_space<semaphore_mem>>) src(%dma_wait3A_100 : memref<49152x16xf32, #tpu.memory_space<hbm>>) dst(%dma_wait3A_94 : memref<128x16xf32, #tpu.memory_space<vmem>>)
      %dma_wait3A_101 = arith.constant 1 : i32
      %dma_wait3A_102 = arith.constant 128 : i32
      %dma_wait3A_103 = arith.constant 0 : i32
      %dma_wait3A_104 = tpu.memref_slice %arg6[%dma_wait3A_102, %dma_wait3A_103] : memref<1024x16xf32, #tpu.memory_space<vmem>> -> memref<128x16xf32, #tpu.memory_space<vmem>>
      %dma_wait3A_105 = arith.constant 0 : i32
      %dma_wait3A_106 = tpu.memref_slice %arg5[%dma_wait3A_101, %dma_wait3A_105] : memref<8x128xi32, #tpu.memory_space<vmem>> -> memref<1x128xi32, #tpu.memory_space<vmem>>
      %dma_wait3A_107 = tpu.memref_squeeze %dma_wait3A_106 : memref<1x128xi32, #tpu.memory_space<vmem>> -> memref<128xi32, #tpu.memory_space<vmem>>
      %dma_wait3A_108 = arith.constant 0 : i32
      %dma_wait3A_109 = arith.constant 0 : i32
      %dma_wait3A_110 = tpu.memref_slice %arg2[%dma_wait3A_108, %dma_wait3A_109] : memref<49152x16xf32, #tpu.memory_space<hbm>> -> memref<49152x16xf32, #tpu.memory_space<hbm>>
      tpu.wait_indirect_dma semaphore(%arg7 : memref<!tpu.dma_semaphore, #tpu.memory_space<semaphore_mem>>) src(%dma_wait3A_110 : memref<49152x16xf32, #tpu.memory_space<hbm>>) dst(%dma_wait3A_104 : memref<128x16xf32, #tpu.memory_space<vmem>>)
      %dma_wait3A_111 = arith.constant 2 : i32
      %dma_wait3A_112 = arith.constant 256 : i32
      %dma_wait3A_113 = arith.constant 0 : i32
      %dma_wait3A_114 = tpu.memref_slice %arg6[%dma_wait3A_112, %dma_wait3A_113] : memref<1024x16xf32, #tpu.memory_space<vmem>> -> memref<128x16xf32, #tpu.memory_space<vmem>>
      %dma_wait3A_115 = arith.constant 0 : i32
      %dma_wait3A_116 = tpu.memref_slice %arg5[%dma_wait3A_111, %dma_wait3A_115] : memref<8x128xi32, #tpu.memory_space<vmem>> -> memref<1x128xi32, #tpu.memory_space<vmem>>
      %dma_wait3A_117 = tpu.memref_squeeze %dma_wait3A_116 : memref<1x128xi32, #tpu.memory_space<vmem>> -> memref<128xi32, #tpu.memory_space<vmem>>
      %dma_wait3A_118 = arith.constant 0 : i32
      %dma_wait3A_119 = arith.constant 0 : i32
      %dma_wait3A_120 = tpu.memref_slice %arg2[%dma_wait3A_118, %dma_wait3A_119] : memref<49152x16xf32, #tpu.memory_space<hbm>> -> memref<49152x16xf32, #tpu.memory_space<hbm>>
      tpu.wait_indirect_dma semaphore(%arg7 : memref<!tpu.dma_semaphore, #tpu.memory_space<semaphore_mem>>) src(%dma_wait3A_120 : memref<49152x16xf32, #tpu.memory_space<hbm>>) dst(%dma_wait3A_114 : memref<128x16xf32, #tpu.memory_space<vmem>>)
      %dma_wait3A_121 = arith.constant 3 : i32
      %dma_wait3A_122 = arith.constant 384 : i32
      %dma_wait3A_123 = arith.constant 0 : i32
      %dma_wait3A_124 = tpu.memref_slice %arg6[%dma_wait3A_122, %dma_wait3A_123] : memref<1024x16xf32, #tpu.memory_space<vmem>> -> memref<128x16xf32, #tpu.memory_space<vmem>>
      %dma_wait3A_125 = arith.constant 0 : i32
      %dma_wait3A_126 = tpu.memref_slice %arg5[%dma_wait3A_121, %dma_wait3A_125] : memref<8x128xi32, #tpu.memory_space<vmem>> -> memref<1x128xi32, #tpu.memory_space<vmem>>
      %dma_wait3A_127 = tpu.memref_squeeze %dma_wait3A_126 : memref<1x128xi32, #tpu.memory_space<vmem>> -> memref<128xi32, #tpu.memory_space<vmem>>
      %dma_wait3A_128 = arith.constant 0 : i32
      %dma_wait3A_129 = arith.constant 0 : i32
      %dma_wait3A_130 = tpu.memref_slice %arg2[%dma_wait3A_128, %dma_wait3A_129] : memref<49152x16xf32, #tpu.memory_space<hbm>> -> memref<49152x16xf32, #tpu.memory_space<hbm>>
      tpu.wait_indirect_dma semaphore(%arg7 : memref<!tpu.dma_semaphore, #tpu.memory_space<semaphore_mem>>) src(%dma_wait3A_130 : memref<49152x16xf32, #tpu.memory_space<hbm>>) dst(%dma_wait3A_124 : memref<128x16xf32, #tpu.memory_space<vmem>>)
      %dma_wait3A_131 = arith.constant 4 : i32
      %dma_wait3A_132 = arith.constant 512 : i32
      %dma_wait3A_133 = arith.constant 0 : i32
      %dma_wait3A_134 = tpu.memref_slice %arg6[%dma_wait3A_132, %dma_wait3A_133] : memref<1024x16xf32, #tpu.memory_space<vmem>> -> memref<128x16xf32, #tpu.memory_space<vmem>>
      %dma_wait3A_135 = arith.constant 0 : i32
      %dma_wait3A_136 = tpu.memref_slice %arg5[%dma_wait3A_131, %dma_wait3A_135] : memref<8x128xi32, #tpu.memory_space<vmem>> -> memref<1x128xi32, #tpu.memory_space<vmem>>
      %dma_wait3A_137 = tpu.memref_squeeze %dma_wait3A_136 : memref<1x128xi32, #tpu.memory_space<vmem>> -> memref<128xi32, #tpu.memory_space<vmem>>
      %dma_wait3A_138 = arith.constant 0 : i32
      %dma_wait3A_139 = arith.constant 0 : i32
      %dma_wait3A_140 = tpu.memref_slice %arg2[%dma_wait3A_138, %dma_wait3A_139] : memref<49152x16xf32, #tpu.memory_space<hbm>> -> memref<49152x16xf32, #tpu.memory_space<hbm>>
      tpu.wait_indirect_dma semaphore(%arg7 : memref<!tpu.dma_semaphore, #tpu.memory_space<semaphore_mem>>) src(%dma_wait3A_140 : memref<49152x16xf32, #tpu.memory_space<hbm>>) dst(%dma_wait3A_134 : memref<128x16xf32, #tpu.memory_space<vmem>>)
      %dma_wait3A_141 = arith.constant 5 : i32
      %dma_wait3A_142 = arith.constant 640 : i32
      %dma_wait3A_143 = arith.constant 0 : i32
      %dma_wait3A_144 = tpu.memref_slice %arg6[%dma_wait3A_142, %dma_wait3A_143] : memref<1024x16xf32, #tpu.memory_space<vmem>> -> memref<128x16xf32, #tpu.memory_space<vmem>>
      %dma_wait3A_145 = arith.constant 0 : i32
      %dma_wait3A_146 = tpu.memref_slice %arg5[%dma_wait3A_141, %dma_wait3A_145] : memref<8x128xi32, #tpu.memory_space<vmem>> -> memref<1x128xi32, #tpu.memory_space<vmem>>
      %dma_wait3A_147 = tpu.memref_squeeze %dma_wait3A_146 : memref<1x128xi32, #tpu.memory_space<vmem>> -> memref<128xi32, #tpu.memory_space<vmem>>
      %dma_wait3A_148 = arith.constant 0 : i32
      %dma_wait3A_149 = arith.constant 0 : i32
      %dma_wait3A_150 = tpu.memref_slice %arg2[%dma_wait3A_148, %dma_wait3A_149] : memref<49152x16xf32, #tpu.memory_space<hbm>> -> memref<49152x16xf32, #tpu.memory_space<hbm>>
      tpu.wait_indirect_dma semaphore(%arg7 : memref<!tpu.dma_semaphore, #tpu.memory_space<semaphore_mem>>) src(%dma_wait3A_150 : memref<49152x16xf32, #tpu.memory_space<hbm>>) dst(%dma_wait3A_144 : memref<128x16xf32, #tpu.memory_space<vmem>>)
      %dma_wait3A_151 = arith.constant 6 : i32
      %dma_wait3A_152 = arith.constant 768 : i32
      %dma_wait3A_153 = arith.constant 0 : i32
      %dma_wait3A_154 = tpu.memref_slice %arg6[%dma_wait3A_152, %dma_wait3A_153] : memref<1024x16xf32, #tpu.memory_space<vmem>> -> memref<128x16xf32, #tpu.memory_space<vmem>>
      %dma_wait3A_155 = arith.constant 0 : i32
      %dma_wait3A_156 = tpu.memref_slice %arg5[%dma_wait3A_151, %dma_wait3A_155] : memref<8x128xi32, #tpu.memory_space<vmem>> -> memref<1x128xi32, #tpu.memory_space<vmem>>
      %dma_wait3A_157 = tpu.memref_squeeze %dma_wait3A_156 : memref<1x128xi32, #tpu.memory_space<vmem>> -> memref<128xi32, #tpu.memory_space<vmem>>
      %dma_wait3A_158 = arith.constant 0 : i32
      %dma_wait3A_159 = arith.constant 0 : i32
      %dma_wait3A_160 = tpu.memref_slice %arg2[%dma_wait3A_158, %dma_wait3A_159] : memref<49152x16xf32, #tpu.memory_space<hbm>> -> memref<49152x16xf32, #tpu.memory_space<hbm>>
      tpu.wait_indirect_dma semaphore(%arg7 : memref<!tpu.dma_semaphore, #tpu.memory_space<semaphore_mem>>) src(%dma_wait3A_160 : memref<49152x16xf32, #tpu.memory_space<hbm>>) dst(%dma_wait3A_154 : memref<128x16xf32, #tpu.memory_space<vmem>>)
      %dma_wait3A_161 = arith.constant 7 : i32
      %dma_wait3A_162 = arith.constant 896 : i32
      %dma_wait3A_163 = arith.constant 0 : i32
      %dma_wait3A_164 = tpu.memref_slice %arg6[%dma_wait3A_162, %dma_wait3A_163] : memref<1024x16xf32, #tpu.memory_space<vmem>> -> memref<128x16xf32, #tpu.memory_space<vmem>>
      %dma_wait3A_165 = arith.constant 0 : i32
      %dma_wait3A_166 = tpu.memref_slice %arg5[%dma_wait3A_161, %dma_wait3A_165] : memref<8x128xi32, #tpu.memory_space<vmem>> -> memref<1x128xi32, #tpu.memory_space<vmem>>
      %dma_wait3A_167 = tpu.memref_squeeze %dma_wait3A_166 : memref<1x128xi32, #tpu.memory_space<vmem>> -> memref<128xi32, #tpu.memory_space<vmem>>
      %dma_wait3A_168 = arith.constant 0 : i32
      %dma_wait3A_169 = arith.constant 0 : i32
      %dma_wait3A_170 = tpu.memref_slice %arg2[%dma_wait3A_168, %dma_wait3A_169] : memref<49152x16xf32, #tpu.memory_space<hbm>> -> memref<49152x16xf32, #tpu.memory_space<hbm>>
      tpu.wait_indirect_dma semaphore(%arg7 : memref<!tpu.dma_semaphore, #tpu.memory_space<semaphore_mem>>) src(%dma_wait3A_170 : memref<49152x16xf32, #tpu.memory_space<hbm>>) dst(%dma_wait3A_164 : memref<128x16xf32, #tpu.memory_space<vmem>>)
      %mul3A_171 = arith.constant 8 : i32
      %mul3A_172 = arith.muli %scan3A_8, %mul3A_171 : i32
      %add3A_173 = arith.addi %multiple_of3A, %mul3A_172 : i32
      %mul3A_174 = arith.constant 128 : i32
      %mul3A_175 = arith.muli %add3A_173, %mul3A_174 : i32
      %multiple_of3A_176 = tpu.assume_multiple %mul3A_175, 1024 : i32
      "tpu.region"() ({
        %run_scoped3A = tpu.sem_alloc : memref<!tpu.dma_semaphore, #tpu.memory_space<semaphore_mem>>
        %dma_start3A_177 = arith.constant 0 : i32
        %dma_start3A_178 = tpu.memref_slice %arg4[%multiple_of3A_176, %dma_start3A_177] : memref<983040x16xf32, #tpu.memory_space<hbm>> -> memref<1024x16xf32, #tpu.memory_space<hbm>>
        %dma_start3A_179 = arith.constant 0 : i32
        %dma_start3A_180 = tpu.memref_slice %arg4[%multiple_of3A_176, %dma_start3A_179] : memref<983040x16xf32, #tpu.memory_space<hbm>> -> memref<1024x16xf32, #tpu.memory_space<hbm>>
        tpu.enqueue_dma source(%arg6 : memref<1024x16xf32, #tpu.memory_space<vmem>>) target(%dma_start3A_180 : memref<1024x16xf32, #tpu.memory_space<hbm>>) target_semaphore(%run_scoped3A : memref<!tpu.dma_semaphore, #tpu.memory_space<semaphore_mem>>)
        %dma_wait3A_181 = arith.constant 0 : i32
        %dma_wait3A_182 = tpu.memref_slice %arg4[%multiple_of3A_176, %dma_wait3A_181] : memref<983040x16xf32, #tpu.memory_space<hbm>> -> memref<1024x16xf32, #tpu.memory_space<hbm>>
        %dma_wait3A_183 = arith.constant 0 : i32
        %dma_wait3A_184 = tpu.memref_slice %arg4[%multiple_of3A_176, %dma_wait3A_183] : memref<983040x16xf32, #tpu.memory_space<hbm>> -> memref<1024x16xf32, #tpu.memory_space<hbm>>
        tpu.wait_dma2 semaphore(%run_scoped3A : memref<!tpu.dma_semaphore, #tpu.memory_space<semaphore_mem>>) src(%arg6 : memref<1024x16xf32, #tpu.memory_space<vmem>>) dst(%dma_wait3A_184 : memref<1024x16xf32, #tpu.memory_space<hbm>>)
        tpu.yield
      }) : () -> ()
    }
    %scan3A_7 = arith.constant 30 : i32
    return
  }
}

#map = affine_map<(d0, d1) -> (0, 0)>
module attributes {stable_mosaic.version = 14 : i64} {
  func.func @gather_kernel(%arg0: i32, %arg1: i32, %arg2: memref<49152x32xf32, #tpu.memory_space<hbm>>, %arg3: memref<7680x128xi32, #tpu.memory_space<hbm>>, %arg4: memref<983040x32xf32, #tpu.memory_space<hbm>>, %arg5: memref<8x128xi32, #tpu.memory_space<vmem>>, %arg6: memref<1024x32xf32, #tpu.memory_space<vmem>>, %arg7: memref<!tpu.dma_semaphore, #tpu.memory_space<semaphore_mem>>) attributes {dimension_semantics = [#tpu.dimension_semantics<core_parallel>, #tpu.dimension_semantics<subcore_parallel>], iteration_bounds = array<i64: 2, 16>, scalar_prefetch = 0 : i64, scratch_operands = 3 : i64, tpu.core_type = #tpu.core_type<sc_vector_subcore>, window_params = [{transform_indices = #map}, {transform_indices = #map}, {transform_indices = #map}]} {
    %mul3A = arith.constant 2 : i32
    %mul3A_0 = arith.muli %arg1, %mul3A : i32
    %add3A = arith.addi %mul3A_0, %arg0 : i32
    %mul3A_1 = arith.constant 240 : i32
    %mul3A_2 = arith.muli %add3A, %mul3A_1 : i32
    %multiple_of3A = tpu.assume_multiple %mul3A_2, 8 : i32
    %scan3A = arith.constant 0 : i32
    %scan3A_3 = arith.constant 0 : i32
    %scan3A_4 = arith.constant 30 : i32
    %scan3A_5 = arith.addi %scan3A_3, %scan3A_4 : i32
    %scan3A_6 = arith.constant 1 : i32
    scf.for %scan3A_8 = %scan3A_3 to %scan3A_5 step %scan3A_6  : i32 {
      %mul3A_9 = arith.constant 8 : i32
      %mul3A_10 = arith.muli %scan3A_8, %mul3A_9 : i32
      %add3A_11 = arith.addi %multiple_of3A, %mul3A_10 : i32
      %multiple_of3A_12 = tpu.assume_multiple %add3A_11, 8 : i32
      "tpu.region"() ({
        %run_scoped3A = tpu.sem_alloc : memref<!tpu.dma_semaphore, #tpu.memory_space<semaphore_mem>>
        %dma_start3A_177 = arith.constant 0 : i32
        %dma_start3A_178 = tpu.memref_slice %arg3[%multiple_of3A_12, %dma_start3A_177] : memref<7680x128xi32, #tpu.memory_space<hbm>> -> memref<8x128xi32, #tpu.memory_space<hbm>>
        %dma_start3A_179 = arith.constant 0 : i32
        %dma_start3A_180 = tpu.memref_slice %arg3[%multiple_of3A_12, %dma_start3A_179] : memref<7680x128xi32, #tpu.memory_space<hbm>> -> memref<8x128xi32, #tpu.memory_space<hbm>>
        tpu.enqueue_dma source(%dma_start3A_180 : memref<8x128xi32, #tpu.memory_space<hbm>>) target(%arg5 : memref<8x128xi32, #tpu.memory_space<vmem>>) target_semaphore(%run_scoped3A : memref<!tpu.dma_semaphore, #tpu.memory_space<semaphore_mem>>)
        %dma_wait3A_181 = arith.constant 0 : i32
        %dma_wait3A_182 = tpu.memref_slice %arg3[%multiple_of3A_12, %dma_wait3A_181] : memref<7680x128xi32, #tpu.memory_space<hbm>> -> memref<8x128xi32, #tpu.memory_space<hbm>>
        %dma_wait3A_183 = arith.constant 0 : i32
        %dma_wait3A_184 = tpu.memref_slice %arg3[%multiple_of3A_12, %dma_wait3A_183] : memref<7680x128xi32, #tpu.memory_space<hbm>> -> memref<8x128xi32, #tpu.memory_space<hbm>>
        tpu.wait_dma2 semaphore(%run_scoped3A : memref<!tpu.dma_semaphore, #tpu.memory_space<semaphore_mem>>) src(%dma_wait3A_184 : memref<8x128xi32, #tpu.memory_space<hbm>>) dst(%arg5 : memref<8x128xi32, #tpu.memory_space<vmem>>)
        tpu.yield
      }) : () -> ()
      %dma_start3A = arith.constant 0 : i32
      %dma_start3A_13 = arith.constant 0 : i32
      %dma_start3A_14 = arith.constant 0 : i32
      %dma_start3A_15 = tpu.memref_slice %arg6[%dma_start3A_13, %dma_start3A_14] : memref<1024x32xf32, #tpu.memory_space<vmem>> -> memref<128x32xf32, #tpu.memory_space<vmem>>
      %dma_start3A_16 = arith.constant 0 : i32
      %dma_start3A_17 = tpu.memref_slice %arg5[%dma_start3A, %dma_start3A_16] : memref<8x128xi32, #tpu.memory_space<vmem>> -> memref<1x128xi32, #tpu.memory_space<vmem>>
      %dma_start3A_18 = tpu.memref_squeeze %dma_start3A_17 : memref<1x128xi32, #tpu.memory_space<vmem>> -> memref<128xi32, #tpu.memory_space<vmem>>
      %dma_start3A_19 = arith.constant 0 : i32
      %dma_start3A_20 = arith.constant 0 : i32
      %dma_start3A_21 = tpu.memref_slice %arg2[%dma_start3A_19, %dma_start3A_20] : memref<49152x32xf32, #tpu.memory_space<hbm>> -> memref<49152x32xf32, #tpu.memory_space<hbm>>
      tpu.enqueue_indirect_dma source(%dma_start3A_21 : memref<49152x32xf32, #tpu.memory_space<hbm>>) target(%dma_start3A_15 : memref<128x32xf32, #tpu.memory_space<vmem>>) offsets(%dma_start3A_18 : memref<128xi32, #tpu.memory_space<vmem>>) semaphore(%arg7 : memref<!tpu.dma_semaphore, #tpu.memory_space<semaphore_mem>>)
      %dma_start3A_22 = arith.constant 1 : i32
      %dma_start3A_23 = arith.constant 128 : i32
      %dma_start3A_24 = arith.constant 0 : i32
      %dma_start3A_25 = tpu.memref_slice %arg6[%dma_start3A_23, %dma_start3A_24] : memref<1024x32xf32, #tpu.memory_space<vmem>> -> memref<128x32xf32, #tpu.memory_space<vmem>>
      %dma_start3A_26 = arith.constant 0 : i32
      %dma_start3A_27 = tpu.memref_slice %arg5[%dma_start3A_22, %dma_start3A_26] : memref<8x128xi32, #tpu.memory_space<vmem>> -> memref<1x128xi32, #tpu.memory_space<vmem>>
      %dma_start3A_28 = tpu.memref_squeeze %dma_start3A_27 : memref<1x128xi32, #tpu.memory_space<vmem>> -> memref<128xi32, #tpu.memory_space<vmem>>
      %dma_start3A_29 = arith.constant 0 : i32
      %dma_start3A_30 = arith.constant 0 : i32
      %dma_start3A_31 = tpu.memref_slice %arg2[%dma_start3A_29, %dma_start3A_30] : memref<49152x32xf32, #tpu.memory_space<hbm>> -> memref<49152x32xf32, #tpu.memory_space<hbm>>
      tpu.enqueue_indirect_dma source(%dma_start3A_31 : memref<49152x32xf32, #tpu.memory_space<hbm>>) target(%dma_start3A_25 : memref<128x32xf32, #tpu.memory_space<vmem>>) offsets(%dma_start3A_28 : memref<128xi32, #tpu.memory_space<vmem>>) semaphore(%arg7 : memref<!tpu.dma_semaphore, #tpu.memory_space<semaphore_mem>>)
      %dma_start3A_32 = arith.constant 2 : i32
      %dma_start3A_33 = arith.constant 256 : i32
      %dma_start3A_34 = arith.constant 0 : i32
      %dma_start3A_35 = tpu.memref_slice %arg6[%dma_start3A_33, %dma_start3A_34] : memref<1024x32xf32, #tpu.memory_space<vmem>> -> memref<128x32xf32, #tpu.memory_space<vmem>>
      %dma_start3A_36 = arith.constant 0 : i32
      %dma_start3A_37 = tpu.memref_slice %arg5[%dma_start3A_32, %dma_start3A_36] : memref<8x128xi32, #tpu.memory_space<vmem>> -> memref<1x128xi32, #tpu.memory_space<vmem>>
      %dma_start3A_38 = tpu.memref_squeeze %dma_start3A_37 : memref<1x128xi32, #tpu.memory_space<vmem>> -> memref<128xi32, #tpu.memory_space<vmem>>
      %dma_start3A_39 = arith.constant 0 : i32
      %dma_start3A_40 = arith.constant 0 : i32
      %dma_start3A_41 = tpu.memref_slice %arg2[%dma_start3A_39, %dma_start3A_40] : memref<49152x32xf32, #tpu.memory_space<hbm>> -> memref<49152x32xf32, #tpu.memory_space<hbm>>
      tpu.enqueue_indirect_dma source(%dma_start3A_41 : memref<49152x32xf32, #tpu.memory_space<hbm>>) target(%dma_start3A_35 : memref<128x32xf32, #tpu.memory_space<vmem>>) offsets(%dma_start3A_38 : memref<128xi32, #tpu.memory_space<vmem>>) semaphore(%arg7 : memref<!tpu.dma_semaphore, #tpu.memory_space<semaphore_mem>>)
      %dma_start3A_42 = arith.constant 3 : i32
      %dma_start3A_43 = arith.constant 384 : i32
      %dma_start3A_44 = arith.constant 0 : i32
      %dma_start3A_45 = tpu.memref_slice %arg6[%dma_start3A_43, %dma_start3A_44] : memref<1024x32xf32, #tpu.memory_space<vmem>> -> memref<128x32xf32, #tpu.memory_space<vmem>>
      %dma_start3A_46 = arith.constant 0 : i32
      %dma_start3A_47 = tpu.memref_slice %arg5[%dma_start3A_42, %dma_start3A_46] : memref<8x128xi32, #tpu.memory_space<vmem>> -> memref<1x128xi32, #tpu.memory_space<vmem>>
      %dma_start3A_48 = tpu.memref_squeeze %dma_start3A_47 : memref<1x128xi32, #tpu.memory_space<vmem>> -> memref<128xi32, #tpu.memory_space<vmem>>
      %dma_start3A_49 = arith.constant 0 : i32
      %dma_start3A_50 = arith.constant 0 : i32
      %dma_start3A_51 = tpu.memref_slice %arg2[%dma_start3A_49, %dma_start3A_50] : memref<49152x32xf32, #tpu.memory_space<hbm>> -> memref<49152x32xf32, #tpu.memory_space<hbm>>
      tpu.enqueue_indirect_dma source(%dma_start3A_51 : memref<49152x32xf32, #tpu.memory_space<hbm>>) target(%dma_start3A_45 : memref<128x32xf32, #tpu.memory_space<vmem>>) offsets(%dma_start3A_48 : memref<128xi32, #tpu.memory_space<vmem>>) semaphore(%arg7 : memref<!tpu.dma_semaphore, #tpu.memory_space<semaphore_mem>>)
      %dma_start3A_52 = arith.constant 4 : i32
      %dma_start3A_53 = arith.constant 512 : i32
      %dma_start3A_54 = arith.constant 0 : i32
      %dma_start3A_55 = tpu.memref_slice %arg6[%dma_start3A_53, %dma_start3A_54] : memref<1024x32xf32, #tpu.memory_space<vmem>> -> memref<128x32xf32, #tpu.memory_space<vmem>>
      %dma_start3A_56 = arith.constant 0 : i32
      %dma_start3A_57 = tpu.memref_slice %arg5[%dma_start3A_52, %dma_start3A_56] : memref<8x128xi32, #tpu.memory_space<vmem>> -> memref<1x128xi32, #tpu.memory_space<vmem>>
      %dma_start3A_58 = tpu.memref_squeeze %dma_start3A_57 : memref<1x128xi32, #tpu.memory_space<vmem>> -> memref<128xi32, #tpu.memory_space<vmem>>
      %dma_start3A_59 = arith.constant 0 : i32
      %dma_start3A_60 = arith.constant 0 : i32
      %dma_start3A_61 = tpu.memref_slice %arg2[%dma_start3A_59, %dma_start3A_60] : memref<49152x32xf32, #tpu.memory_space<hbm>> -> memref<49152x32xf32, #tpu.memory_space<hbm>>
      tpu.enqueue_indirect_dma source(%dma_start3A_61 : memref<49152x32xf32, #tpu.memory_space<hbm>>) target(%dma_start3A_55 : memref<128x32xf32, #tpu.memory_space<vmem>>) offsets(%dma_start3A_58 : memref<128xi32, #tpu.memory_space<vmem>>) semaphore(%arg7 : memref<!tpu.dma_semaphore, #tpu.memory_space<semaphore_mem>>)
      %dma_start3A_62 = arith.constant 5 : i32
      %dma_start3A_63 = arith.constant 640 : i32
      %dma_start3A_64 = arith.constant 0 : i32
      %dma_start3A_65 = tpu.memref_slice %arg6[%dma_start3A_63, %dma_start3A_64] : memref<1024x32xf32, #tpu.memory_space<vmem>> -> memref<128x32xf32, #tpu.memory_space<vmem>>
      %dma_start3A_66 = arith.constant 0 : i32
      %dma_start3A_67 = tpu.memref_slice %arg5[%dma_start3A_62, %dma_start3A_66] : memref<8x128xi32, #tpu.memory_space<vmem>> -> memref<1x128xi32, #tpu.memory_space<vmem>>
      %dma_start3A_68 = tpu.memref_squeeze %dma_start3A_67 : memref<1x128xi32, #tpu.memory_space<vmem>> -> memref<128xi32, #tpu.memory_space<vmem>>
      %dma_start3A_69 = arith.constant 0 : i32
      %dma_start3A_70 = arith.constant 0 : i32
      %dma_start3A_71 = tpu.memref_slice %arg2[%dma_start3A_69, %dma_start3A_70] : memref<49152x32xf32, #tpu.memory_space<hbm>> -> memref<49152x32xf32, #tpu.memory_space<hbm>>
      tpu.enqueue_indirect_dma source(%dma_start3A_71 : memref<49152x32xf32, #tpu.memory_space<hbm>>) target(%dma_start3A_65 : memref<128x32xf32, #tpu.memory_space<vmem>>) offsets(%dma_start3A_68 : memref<128xi32, #tpu.memory_space<vmem>>) semaphore(%arg7 : memref<!tpu.dma_semaphore, #tpu.memory_space<semaphore_mem>>)
      %dma_start3A_72 = arith.constant 6 : i32
      %dma_start3A_73 = arith.constant 768 : i32
      %dma_start3A_74 = arith.constant 0 : i32
      %dma_start3A_75 = tpu.memref_slice %arg6[%dma_start3A_73, %dma_start3A_74] : memref<1024x32xf32, #tpu.memory_space<vmem>> -> memref<128x32xf32, #tpu.memory_space<vmem>>
      %dma_start3A_76 = arith.constant 0 : i32
      %dma_start3A_77 = tpu.memref_slice %arg5[%dma_start3A_72, %dma_start3A_76] : memref<8x128xi32, #tpu.memory_space<vmem>> -> memref<1x128xi32, #tpu.memory_space<vmem>>
      %dma_start3A_78 = tpu.memref_squeeze %dma_start3A_77 : memref<1x128xi32, #tpu.memory_space<vmem>> -> memref<128xi32, #tpu.memory_space<vmem>>
      %dma_start3A_79 = arith.constant 0 : i32
      %dma_start3A_80 = arith.constant 0 : i32
      %dma_start3A_81 = tpu.memref_slice %arg2[%dma_start3A_79, %dma_start3A_80] : memref<49152x32xf32, #tpu.memory_space<hbm>> -> memref<49152x32xf32, #tpu.memory_space<hbm>>
      tpu.enqueue_indirect_dma source(%dma_start3A_81 : memref<49152x32xf32, #tpu.memory_space<hbm>>) target(%dma_start3A_75 : memref<128x32xf32, #tpu.memory_space<vmem>>) offsets(%dma_start3A_78 : memref<128xi32, #tpu.memory_space<vmem>>) semaphore(%arg7 : memref<!tpu.dma_semaphore, #tpu.memory_space<semaphore_mem>>)
      %dma_start3A_82 = arith.constant 7 : i32
      %dma_start3A_83 = arith.constant 896 : i32
      %dma_start3A_84 = arith.constant 0 : i32
      %dma_start3A_85 = tpu.memref_slice %arg6[%dma_start3A_83, %dma_start3A_84] : memref<1024x32xf32, #tpu.memory_space<vmem>> -> memref<128x32xf32, #tpu.memory_space<vmem>>
      %dma_start3A_86 = arith.constant 0 : i32
      %dma_start3A_87 = tpu.memref_slice %arg5[%dma_start3A_82, %dma_start3A_86] : memref<8x128xi32, #tpu.memory_space<vmem>> -> memref<1x128xi32, #tpu.memory_space<vmem>>
      %dma_start3A_88 = tpu.memref_squeeze %dma_start3A_87 : memref<1x128xi32, #tpu.memory_space<vmem>> -> memref<128xi32, #tpu.memory_space<vmem>>
      %dma_start3A_89 = arith.constant 0 : i32
      %dma_start3A_90 = arith.constant 0 : i32
      %dma_start3A_91 = tpu.memref_slice %arg2[%dma_start3A_89, %dma_start3A_90] : memref<49152x32xf32, #tpu.memory_space<hbm>> -> memref<49152x32xf32, #tpu.memory_space<hbm>>
      tpu.enqueue_indirect_dma source(%dma_start3A_91 : memref<49152x32xf32, #tpu.memory_space<hbm>>) target(%dma_start3A_85 : memref<128x32xf32, #tpu.memory_space<vmem>>) offsets(%dma_start3A_88 : memref<128xi32, #tpu.memory_space<vmem>>) semaphore(%arg7 : memref<!tpu.dma_semaphore, #tpu.memory_space<semaphore_mem>>)
      %dma_wait3A = arith.constant 0 : i32
      %dma_wait3A_92 = arith.constant 0 : i32
      %dma_wait3A_93 = arith.constant 0 : i32
      %dma_wait3A_94 = tpu.memref_slice %arg6[%dma_wait3A_92, %dma_wait3A_93] : memref<1024x32xf32, #tpu.memory_space<vmem>> -> memref<128x32xf32, #tpu.memory_space<vmem>>
      %dma_wait3A_95 = arith.constant 0 : i32
      %dma_wait3A_96 = tpu.memref_slice %arg5[%dma_wait3A, %dma_wait3A_95] : memref<8x128xi32, #tpu.memory_space<vmem>> -> memref<1x128xi32, #tpu.memory_space<vmem>>
      %dma_wait3A_97 = tpu.memref_squeeze %dma_wait3A_96 : memref<1x128xi32, #tpu.memory_space<vmem>> -> memref<128xi32, #tpu.memory_space<vmem>>
      %dma_wait3A_98 = arith.constant 0 : i32
      %dma_wait3A_99 = arith.constant 0 : i32
      %dma_wait3A_100 = tpu.memref_slice %arg2[%dma_wait3A_98, %dma_wait3A_99] : memref<49152x32xf32, #tpu.memory_space<hbm>> -> memref<49152x32xf32, #tpu.memory_space<hbm>>
      tpu.wait_indirect_dma semaphore(%arg7 : memref<!tpu.dma_semaphore, #tpu.memory_space<semaphore_mem>>) src(%dma_wait3A_100 : memref<49152x32xf32, #tpu.memory_space<hbm>>) dst(%dma_wait3A_94 : memref<128x32xf32, #tpu.memory_space<vmem>>)
      %dma_wait3A_101 = arith.constant 1 : i32
      %dma_wait3A_102 = arith.constant 128 : i32
      %dma_wait3A_103 = arith.constant 0 : i32
      %dma_wait3A_104 = tpu.memref_slice %arg6[%dma_wait3A_102, %dma_wait3A_103] : memref<1024x32xf32, #tpu.memory_space<vmem>> -> memref<128x32xf32, #tpu.memory_space<vmem>>
      %dma_wait3A_105 = arith.constant 0 : i32
      %dma_wait3A_106 = tpu.memref_slice %arg5[%dma_wait3A_101, %dma_wait3A_105] : memref<8x128xi32, #tpu.memory_space<vmem>> -> memref<1x128xi32, #tpu.memory_space<vmem>>
      %dma_wait3A_107 = tpu.memref_squeeze %dma_wait3A_106 : memref<1x128xi32, #tpu.memory_space<vmem>> -> memref<128xi32, #tpu.memory_space<vmem>>
      %dma_wait3A_108 = arith.constant 0 : i32
      %dma_wait3A_109 = arith.constant 0 : i32
      %dma_wait3A_110 = tpu.memref_slice %arg2[%dma_wait3A_108, %dma_wait3A_109] : memref<49152x32xf32, #tpu.memory_space<hbm>> -> memref<49152x32xf32, #tpu.memory_space<hbm>>
      tpu.wait_indirect_dma semaphore(%arg7 : memref<!tpu.dma_semaphore, #tpu.memory_space<semaphore_mem>>) src(%dma_wait3A_110 : memref<49152x32xf32, #tpu.memory_space<hbm>>) dst(%dma_wait3A_104 : memref<128x32xf32, #tpu.memory_space<vmem>>)
      %dma_wait3A_111 = arith.constant 2 : i32
      %dma_wait3A_112 = arith.constant 256 : i32
      %dma_wait3A_113 = arith.constant 0 : i32
      %dma_wait3A_114 = tpu.memref_slice %arg6[%dma_wait3A_112, %dma_wait3A_113] : memref<1024x32xf32, #tpu.memory_space<vmem>> -> memref<128x32xf32, #tpu.memory_space<vmem>>
      %dma_wait3A_115 = arith.constant 0 : i32
      %dma_wait3A_116 = tpu.memref_slice %arg5[%dma_wait3A_111, %dma_wait3A_115] : memref<8x128xi32, #tpu.memory_space<vmem>> -> memref<1x128xi32, #tpu.memory_space<vmem>>
      %dma_wait3A_117 = tpu.memref_squeeze %dma_wait3A_116 : memref<1x128xi32, #tpu.memory_space<vmem>> -> memref<128xi32, #tpu.memory_space<vmem>>
      %dma_wait3A_118 = arith.constant 0 : i32
      %dma_wait3A_119 = arith.constant 0 : i32
      %dma_wait3A_120 = tpu.memref_slice %arg2[%dma_wait3A_118, %dma_wait3A_119] : memref<49152x32xf32, #tpu.memory_space<hbm>> -> memref<49152x32xf32, #tpu.memory_space<hbm>>
      tpu.wait_indirect_dma semaphore(%arg7 : memref<!tpu.dma_semaphore, #tpu.memory_space<semaphore_mem>>) src(%dma_wait3A_120 : memref<49152x32xf32, #tpu.memory_space<hbm>>) dst(%dma_wait3A_114 : memref<128x32xf32, #tpu.memory_space<vmem>>)
      %dma_wait3A_121 = arith.constant 3 : i32
      %dma_wait3A_122 = arith.constant 384 : i32
      %dma_wait3A_123 = arith.constant 0 : i32
      %dma_wait3A_124 = tpu.memref_slice %arg6[%dma_wait3A_122, %dma_wait3A_123] : memref<1024x32xf32, #tpu.memory_space<vmem>> -> memref<128x32xf32, #tpu.memory_space<vmem>>
      %dma_wait3A_125 = arith.constant 0 : i32
      %dma_wait3A_126 = tpu.memref_slice %arg5[%dma_wait3A_121, %dma_wait3A_125] : memref<8x128xi32, #tpu.memory_space<vmem>> -> memref<1x128xi32, #tpu.memory_space<vmem>>
      %dma_wait3A_127 = tpu.memref_squeeze %dma_wait3A_126 : memref<1x128xi32, #tpu.memory_space<vmem>> -> memref<128xi32, #tpu.memory_space<vmem>>
      %dma_wait3A_128 = arith.constant 0 : i32
      %dma_wait3A_129 = arith.constant 0 : i32
      %dma_wait3A_130 = tpu.memref_slice %arg2[%dma_wait3A_128, %dma_wait3A_129] : memref<49152x32xf32, #tpu.memory_space<hbm>> -> memref<49152x32xf32, #tpu.memory_space<hbm>>
      tpu.wait_indirect_dma semaphore(%arg7 : memref<!tpu.dma_semaphore, #tpu.memory_space<semaphore_mem>>) src(%dma_wait3A_130 : memref<49152x32xf32, #tpu.memory_space<hbm>>) dst(%dma_wait3A_124 : memref<128x32xf32, #tpu.memory_space<vmem>>)
      %dma_wait3A_131 = arith.constant 4 : i32
      %dma_wait3A_132 = arith.constant 512 : i32
      %dma_wait3A_133 = arith.constant 0 : i32
      %dma_wait3A_134 = tpu.memref_slice %arg6[%dma_wait3A_132, %dma_wait3A_133] : memref<1024x32xf32, #tpu.memory_space<vmem>> -> memref<128x32xf32, #tpu.memory_space<vmem>>
      %dma_wait3A_135 = arith.constant 0 : i32
      %dma_wait3A_136 = tpu.memref_slice %arg5[%dma_wait3A_131, %dma_wait3A_135] : memref<8x128xi32, #tpu.memory_space<vmem>> -> memref<1x128xi32, #tpu.memory_space<vmem>>
      %dma_wait3A_137 = tpu.memref_squeeze %dma_wait3A_136 : memref<1x128xi32, #tpu.memory_space<vmem>> -> memref<128xi32, #tpu.memory_space<vmem>>
      %dma_wait3A_138 = arith.constant 0 : i32
      %dma_wait3A_139 = arith.constant 0 : i32
      %dma_wait3A_140 = tpu.memref_slice %arg2[%dma_wait3A_138, %dma_wait3A_139] : memref<49152x32xf32, #tpu.memory_space<hbm>> -> memref<49152x32xf32, #tpu.memory_space<hbm>>
      tpu.wait_indirect_dma semaphore(%arg7 : memref<!tpu.dma_semaphore, #tpu.memory_space<semaphore_mem>>) src(%dma_wait3A_140 : memref<49152x32xf32, #tpu.memory_space<hbm>>) dst(%dma_wait3A_134 : memref<128x32xf32, #tpu.memory_space<vmem>>)
      %dma_wait3A_141 = arith.constant 5 : i32
      %dma_wait3A_142 = arith.constant 640 : i32
      %dma_wait3A_143 = arith.constant 0 : i32
      %dma_wait3A_144 = tpu.memref_slice %arg6[%dma_wait3A_142, %dma_wait3A_143] : memref<1024x32xf32, #tpu.memory_space<vmem>> -> memref<128x32xf32, #tpu.memory_space<vmem>>
      %dma_wait3A_145 = arith.constant 0 : i32
      %dma_wait3A_146 = tpu.memref_slice %arg5[%dma_wait3A_141, %dma_wait3A_145] : memref<8x128xi32, #tpu.memory_space<vmem>> -> memref<1x128xi32, #tpu.memory_space<vmem>>
      %dma_wait3A_147 = tpu.memref_squeeze %dma_wait3A_146 : memref<1x128xi32, #tpu.memory_space<vmem>> -> memref<128xi32, #tpu.memory_space<vmem>>
      %dma_wait3A_148 = arith.constant 0 : i32
      %dma_wait3A_149 = arith.constant 0 : i32
      %dma_wait3A_150 = tpu.memref_slice %arg2[%dma_wait3A_148, %dma_wait3A_149] : memref<49152x32xf32, #tpu.memory_space<hbm>> -> memref<49152x32xf32, #tpu.memory_space<hbm>>
      tpu.wait_indirect_dma semaphore(%arg7 : memref<!tpu.dma_semaphore, #tpu.memory_space<semaphore_mem>>) src(%dma_wait3A_150 : memref<49152x32xf32, #tpu.memory_space<hbm>>) dst(%dma_wait3A_144 : memref<128x32xf32, #tpu.memory_space<vmem>>)
      %dma_wait3A_151 = arith.constant 6 : i32
      %dma_wait3A_152 = arith.constant 768 : i32
      %dma_wait3A_153 = arith.constant 0 : i32
      %dma_wait3A_154 = tpu.memref_slice %arg6[%dma_wait3A_152, %dma_wait3A_153] : memref<1024x32xf32, #tpu.memory_space<vmem>> -> memref<128x32xf32, #tpu.memory_space<vmem>>
      %dma_wait3A_155 = arith.constant 0 : i32
      %dma_wait3A_156 = tpu.memref_slice %arg5[%dma_wait3A_151, %dma_wait3A_155] : memref<8x128xi32, #tpu.memory_space<vmem>> -> memref<1x128xi32, #tpu.memory_space<vmem>>
      %dma_wait3A_157 = tpu.memref_squeeze %dma_wait3A_156 : memref<1x128xi32, #tpu.memory_space<vmem>> -> memref<128xi32, #tpu.memory_space<vmem>>
      %dma_wait3A_158 = arith.constant 0 : i32
      %dma_wait3A_159 = arith.constant 0 : i32
      %dma_wait3A_160 = tpu.memref_slice %arg2[%dma_wait3A_158, %dma_wait3A_159] : memref<49152x32xf32, #tpu.memory_space<hbm>> -> memref<49152x32xf32, #tpu.memory_space<hbm>>
      tpu.wait_indirect_dma semaphore(%arg7 : memref<!tpu.dma_semaphore, #tpu.memory_space<semaphore_mem>>) src(%dma_wait3A_160 : memref<49152x32xf32, #tpu.memory_space<hbm>>) dst(%dma_wait3A_154 : memref<128x32xf32, #tpu.memory_space<vmem>>)
      %dma_wait3A_161 = arith.constant 7 : i32
      %dma_wait3A_162 = arith.constant 896 : i32
      %dma_wait3A_163 = arith.constant 0 : i32
      %dma_wait3A_164 = tpu.memref_slice %arg6[%dma_wait3A_162, %dma_wait3A_163] : memref<1024x32xf32, #tpu.memory_space<vmem>> -> memref<128x32xf32, #tpu.memory_space<vmem>>
      %dma_wait3A_165 = arith.constant 0 : i32
      %dma_wait3A_166 = tpu.memref_slice %arg5[%dma_wait3A_161, %dma_wait3A_165] : memref<8x128xi32, #tpu.memory_space<vmem>> -> memref<1x128xi32, #tpu.memory_space<vmem>>
      %dma_wait3A_167 = tpu.memref_squeeze %dma_wait3A_166 : memref<1x128xi32, #tpu.memory_space<vmem>> -> memref<128xi32, #tpu.memory_space<vmem>>
      %dma_wait3A_168 = arith.constant 0 : i32
      %dma_wait3A_169 = arith.constant 0 : i32
      %dma_wait3A_170 = tpu.memref_slice %arg2[%dma_wait3A_168, %dma_wait3A_169] : memref<49152x32xf32, #tpu.memory_space<hbm>> -> memref<49152x32xf32, #tpu.memory_space<hbm>>
      tpu.wait_indirect_dma semaphore(%arg7 : memref<!tpu.dma_semaphore, #tpu.memory_space<semaphore_mem>>) src(%dma_wait3A_170 : memref<49152x32xf32, #tpu.memory_space<hbm>>) dst(%dma_wait3A_164 : memref<128x32xf32, #tpu.memory_space<vmem>>)
      %mul3A_171 = arith.constant 8 : i32
      %mul3A_172 = arith.muli %scan3A_8, %mul3A_171 : i32
      %add3A_173 = arith.addi %multiple_of3A, %mul3A_172 : i32
      %mul3A_174 = arith.constant 128 : i32
      %mul3A_175 = arith.muli %add3A_173, %mul3A_174 : i32
      %multiple_of3A_176 = tpu.assume_multiple %mul3A_175, 1024 : i32
      "tpu.region"() ({
        %run_scoped3A = tpu.sem_alloc : memref<!tpu.dma_semaphore, #tpu.memory_space<semaphore_mem>>
        %dma_start3A_177 = arith.constant 0 : i32
        %dma_start3A_178 = tpu.memref_slice %arg4[%multiple_of3A_176, %dma_start3A_177] : memref<983040x32xf32, #tpu.memory_space<hbm>> -> memref<1024x32xf32, #tpu.memory_space<hbm>>
        %dma_start3A_179 = arith.constant 0 : i32
        %dma_start3A_180 = tpu.memref_slice %arg4[%multiple_of3A_176, %dma_start3A_179] : memref<983040x32xf32, #tpu.memory_space<hbm>> -> memref<1024x32xf32, #tpu.memory_space<hbm>>
        tpu.enqueue_dma source(%arg6 : memref<1024x32xf32, #tpu.memory_space<vmem>>) target(%dma_start3A_180 : memref<1024x32xf32, #tpu.memory_space<hbm>>) target_semaphore(%run_scoped3A : memref<!tpu.dma_semaphore, #tpu.memory_space<semaphore_mem>>)
        %dma_wait3A_181 = arith.constant 0 : i32
        %dma_wait3A_182 = tpu.memref_slice %arg4[%multiple_of3A_176, %dma_wait3A_181] : memref<983040x32xf32, #tpu.memory_space<hbm>> -> memref<1024x32xf32, #tpu.memory_space<hbm>>
        %dma_wait3A_183 = arith.constant 0 : i32
        %dma_wait3A_184 = tpu.memref_slice %arg4[%multiple_of3A_176, %dma_wait3A_183] : memref<983040x32xf32, #tpu.memory_space<hbm>> -> memref<1024x32xf32, #tpu.memory_space<hbm>>
        tpu.wait_dma2 semaphore(%run_scoped3A : memref<!tpu.dma_semaphore, #tpu.memory_space<semaphore_mem>>) src(%arg6 : memref<1024x32xf32, #tpu.memory_space<vmem>>) dst(%dma_wait3A_184 : memref<1024x32xf32, #tpu.memory_space<hbm>>)
        tpu.yield
      }) : () -> ()
    }
    %scan3A_7 = arith.constant 30 : i32
    return
  }
}

#map = affine_map<(d0, d1) -> (0, 0)>
module attributes {stable_mosaic.version = 14 : i64} {
  func.func @gather_kernel(%arg0: i32, %arg1: i32, %arg2: memref<49152x16xf32, #tpu.memory_space<hbm>>, %arg3: memref<7680x128xi32, #tpu.memory_space<hbm>>, %arg4: memref<983040x16xf32, #tpu.memory_space<hbm>>, %arg5: memref<8x128xi32, #tpu.memory_space<vmem>>, %arg6: memref<1024x16xf32, #tpu.memory_space<vmem>>, %arg7: memref<!tpu.dma_semaphore, #tpu.memory_space<semaphore_mem>>) attributes {dimension_semantics = [#tpu.dimension_semantics<core_parallel>, #tpu.dimension_semantics<subcore_parallel>], iteration_bounds = array<i64: 2, 16>, scalar_prefetch = 0 : i64, scratch_operands = 3 : i64, tpu.core_type = #tpu.core_type<sc_vector_subcore>, window_params = [{transform_indices = #map}, {transform_indices = #map}, {transform_indices = #map}]} {
    %mul3A = arith.constant 2 : i32
    %mul3A_0 = arith.muli %arg1, %mul3A : i32
    %add3A = arith.addi %mul3A_0, %arg0 : i32
    %mul3A_1 = arith.constant 240 : i32
    %mul3A_2 = arith.muli %add3A, %mul3A_1 : i32
    %multiple_of3A = tpu.assume_multiple %mul3A_2, 8 : i32
    %scan3A = arith.constant 0 : i32
    %scan3A_3 = arith.constant 0 : i32
    %scan3A_4 = arith.constant 30 : i32
    %scan3A_5 = arith.addi %scan3A_3, %scan3A_4 : i32
    %scan3A_6 = arith.constant 1 : i32
    scf.for %scan3A_8 = %scan3A_3 to %scan3A_5 step %scan3A_6  : i32 {
      %mul3A_9 = arith.constant 8 : i32
      %mul3A_10 = arith.muli %scan3A_8, %mul3A_9 : i32
      %add3A_11 = arith.addi %multiple_of3A, %mul3A_10 : i32
      %multiple_of3A_12 = tpu.assume_multiple %add3A_11, 8 : i32
      "tpu.region"() ({
        %run_scoped3A = tpu.sem_alloc : memref<!tpu.dma_semaphore, #tpu.memory_space<semaphore_mem>>
        %dma_start3A_177 = arith.constant 0 : i32
        %dma_start3A_178 = tpu.memref_slice %arg3[%multiple_of3A_12, %dma_start3A_177] : memref<7680x128xi32, #tpu.memory_space<hbm>> -> memref<8x128xi32, #tpu.memory_space<hbm>>
        %dma_start3A_179 = arith.constant 0 : i32
        %dma_start3A_180 = tpu.memref_slice %arg3[%multiple_of3A_12, %dma_start3A_179] : memref<7680x128xi32, #tpu.memory_space<hbm>> -> memref<8x128xi32, #tpu.memory_space<hbm>>
        tpu.enqueue_dma source(%dma_start3A_180 : memref<8x128xi32, #tpu.memory_space<hbm>>) target(%arg5 : memref<8x128xi32, #tpu.memory_space<vmem>>) target_semaphore(%run_scoped3A : memref<!tpu.dma_semaphore, #tpu.memory_space<semaphore_mem>>)
        %dma_wait3A_181 = arith.constant 0 : i32
        %dma_wait3A_182 = tpu.memref_slice %arg3[%multiple_of3A_12, %dma_wait3A_181] : memref<7680x128xi32, #tpu.memory_space<hbm>> -> memref<8x128xi32, #tpu.memory_space<hbm>>
        %dma_wait3A_183 = arith.constant 0 : i32
        %dma_wait3A_184 = tpu.memref_slice %arg3[%multiple_of3A_12, %dma_wait3A_183] : memref<7680x128xi32, #tpu.memory_space<hbm>> -> memref<8x128xi32, #tpu.memory_space<hbm>>
        tpu.wait_dma2 semaphore(%run_scoped3A : memref<!tpu.dma_semaphore, #tpu.memory_space<semaphore_mem>>) src(%dma_wait3A_184 : memref<8x128xi32, #tpu.memory_space<hbm>>) dst(%arg5 : memref<8x128xi32, #tpu.memory_space<vmem>>)
        tpu.yield
      }) : () -> ()
      %dma_start3A = arith.constant 0 : i32
      %dma_start3A_13 = arith.constant 0 : i32
      %dma_start3A_14 = arith.constant 0 : i32
      %dma_start3A_15 = tpu.memref_slice %arg6[%dma_start3A_13, %dma_start3A_14] : memref<1024x16xf32, #tpu.memory_space<vmem>> -> memref<128x16xf32, #tpu.memory_space<vmem>>
      %dma_start3A_16 = arith.constant 0 : i32
      %dma_start3A_17 = tpu.memref_slice %arg5[%dma_start3A, %dma_start3A_16] : memref<8x128xi32, #tpu.memory_space<vmem>> -> memref<1x128xi32, #tpu.memory_space<vmem>>
      %dma_start3A_18 = tpu.memref_squeeze %dma_start3A_17 : memref<1x128xi32, #tpu.memory_space<vmem>> -> memref<128xi32, #tpu.memory_space<vmem>>
      %dma_start3A_19 = arith.constant 0 : i32
      %dma_start3A_20 = arith.constant 0 : i32
      %dma_start3A_21 = tpu.memref_slice %arg2[%dma_start3A_19, %dma_start3A_20] : memref<49152x16xf32, #tpu.memory_space<hbm>> -> memref<49152x16xf32, #tpu.memory_space<hbm>>
      tpu.enqueue_indirect_dma source(%dma_start3A_21 : memref<49152x16xf32, #tpu.memory_space<hbm>>) target(%dma_start3A_15 : memref<128x16xf32, #tpu.memory_space<vmem>>) offsets(%dma_start3A_18 : memref<128xi32, #tpu.memory_space<vmem>>) semaphore(%arg7 : memref<!tpu.dma_semaphore, #tpu.memory_space<semaphore_mem>>)
      %dma_start3A_22 = arith.constant 1 : i32
      %dma_start3A_23 = arith.constant 128 : i32
      %dma_start3A_24 = arith.constant 0 : i32
      %dma_start3A_25 = tpu.memref_slice %arg6[%dma_start3A_23, %dma_start3A_24] : memref<1024x16xf32, #tpu.memory_space<vmem>> -> memref<128x16xf32, #tpu.memory_space<vmem>>
      %dma_start3A_26 = arith.constant 0 : i32
      %dma_start3A_27 = tpu.memref_slice %arg5[%dma_start3A_22, %dma_start3A_26] : memref<8x128xi32, #tpu.memory_space<vmem>> -> memref<1x128xi32, #tpu.memory_space<vmem>>
      %dma_start3A_28 = tpu.memref_squeeze %dma_start3A_27 : memref<1x128xi32, #tpu.memory_space<vmem>> -> memref<128xi32, #tpu.memory_space<vmem>>
      %dma_start3A_29 = arith.constant 0 : i32
      %dma_start3A_30 = arith.constant 0 : i32
      %dma_start3A_31 = tpu.memref_slice %arg2[%dma_start3A_29, %dma_start3A_30] : memref<49152x16xf32, #tpu.memory_space<hbm>> -> memref<49152x16xf32, #tpu.memory_space<hbm>>
      tpu.enqueue_indirect_dma source(%dma_start3A_31 : memref<49152x16xf32, #tpu.memory_space<hbm>>) target(%dma_start3A_25 : memref<128x16xf32, #tpu.memory_space<vmem>>) offsets(%dma_start3A_28 : memref<128xi32, #tpu.memory_space<vmem>>) semaphore(%arg7 : memref<!tpu.dma_semaphore, #tpu.memory_space<semaphore_mem>>)
      %dma_start3A_32 = arith.constant 2 : i32
      %dma_start3A_33 = arith.constant 256 : i32
      %dma_start3A_34 = arith.constant 0 : i32
      %dma_start3A_35 = tpu.memref_slice %arg6[%dma_start3A_33, %dma_start3A_34] : memref<1024x16xf32, #tpu.memory_space<vmem>> -> memref<128x16xf32, #tpu.memory_space<vmem>>
      %dma_start3A_36 = arith.constant 0 : i32
      %dma_start3A_37 = tpu.memref_slice %arg5[%dma_start3A_32, %dma_start3A_36] : memref<8x128xi32, #tpu.memory_space<vmem>> -> memref<1x128xi32, #tpu.memory_space<vmem>>
      %dma_start3A_38 = tpu.memref_squeeze %dma_start3A_37 : memref<1x128xi32, #tpu.memory_space<vmem>> -> memref<128xi32, #tpu.memory_space<vmem>>
      %dma_start3A_39 = arith.constant 0 : i32
      %dma_start3A_40 = arith.constant 0 : i32
      %dma_start3A_41 = tpu.memref_slice %arg2[%dma_start3A_39, %dma_start3A_40] : memref<49152x16xf32, #tpu.memory_space<hbm>> -> memref<49152x16xf32, #tpu.memory_space<hbm>>
      tpu.enqueue_indirect_dma source(%dma_start3A_41 : memref<49152x16xf32, #tpu.memory_space<hbm>>) target(%dma_start3A_35 : memref<128x16xf32, #tpu.memory_space<vmem>>) offsets(%dma_start3A_38 : memref<128xi32, #tpu.memory_space<vmem>>) semaphore(%arg7 : memref<!tpu.dma_semaphore, #tpu.memory_space<semaphore_mem>>)
      %dma_start3A_42 = arith.constant 3 : i32
      %dma_start3A_43 = arith.constant 384 : i32
      %dma_start3A_44 = arith.constant 0 : i32
      %dma_start3A_45 = tpu.memref_slice %arg6[%dma_start3A_43, %dma_start3A_44] : memref<1024x16xf32, #tpu.memory_space<vmem>> -> memref<128x16xf32, #tpu.memory_space<vmem>>
      %dma_start3A_46 = arith.constant 0 : i32
      %dma_start3A_47 = tpu.memref_slice %arg5[%dma_start3A_42, %dma_start3A_46] : memref<8x128xi32, #tpu.memory_space<vmem>> -> memref<1x128xi32, #tpu.memory_space<vmem>>
      %dma_start3A_48 = tpu.memref_squeeze %dma_start3A_47 : memref<1x128xi32, #tpu.memory_space<vmem>> -> memref<128xi32, #tpu.memory_space<vmem>>
      %dma_start3A_49 = arith.constant 0 : i32
      %dma_start3A_50 = arith.constant 0 : i32
      %dma_start3A_51 = tpu.memref_slice %arg2[%dma_start3A_49, %dma_start3A_50] : memref<49152x16xf32, #tpu.memory_space<hbm>> -> memref<49152x16xf32, #tpu.memory_space<hbm>>
      tpu.enqueue_indirect_dma source(%dma_start3A_51 : memref<49152x16xf32, #tpu.memory_space<hbm>>) target(%dma_start3A_45 : memref<128x16xf32, #tpu.memory_space<vmem>>) offsets(%dma_start3A_48 : memref<128xi32, #tpu.memory_space<vmem>>) semaphore(%arg7 : memref<!tpu.dma_semaphore, #tpu.memory_space<semaphore_mem>>)
      %dma_start3A_52 = arith.constant 4 : i32
      %dma_start3A_53 = arith.constant 512 : i32
      %dma_start3A_54 = arith.constant 0 : i32
      %dma_start3A_55 = tpu.memref_slice %arg6[%dma_start3A_53, %dma_start3A_54] : memref<1024x16xf32, #tpu.memory_space<vmem>> -> memref<128x16xf32, #tpu.memory_space<vmem>>
      %dma_start3A_56 = arith.constant 0 : i32
      %dma_start3A_57 = tpu.memref_slice %arg5[%dma_start3A_52, %dma_start3A_56] : memref<8x128xi32, #tpu.memory_space<vmem>> -> memref<1x128xi32, #tpu.memory_space<vmem>>
      %dma_start3A_58 = tpu.memref_squeeze %dma_start3A_57 : memref<1x128xi32, #tpu.memory_space<vmem>> -> memref<128xi32, #tpu.memory_space<vmem>>
      %dma_start3A_59 = arith.constant 0 : i32
      %dma_start3A_60 = arith.constant 0 : i32
      %dma_start3A_61 = tpu.memref_slice %arg2[%dma_start3A_59, %dma_start3A_60] : memref<49152x16xf32, #tpu.memory_space<hbm>> -> memref<49152x16xf32, #tpu.memory_space<hbm>>
      tpu.enqueue_indirect_dma source(%dma_start3A_61 : memref<49152x16xf32, #tpu.memory_space<hbm>>) target(%dma_start3A_55 : memref<128x16xf32, #tpu.memory_space<vmem>>) offsets(%dma_start3A_58 : memref<128xi32, #tpu.memory_space<vmem>>) semaphore(%arg7 : memref<!tpu.dma_semaphore, #tpu.memory_space<semaphore_mem>>)
      %dma_start3A_62 = arith.constant 5 : i32
      %dma_start3A_63 = arith.constant 640 : i32
      %dma_start3A_64 = arith.constant 0 : i32
      %dma_start3A_65 = tpu.memref_slice %arg6[%dma_start3A_63, %dma_start3A_64] : memref<1024x16xf32, #tpu.memory_space<vmem>> -> memref<128x16xf32, #tpu.memory_space<vmem>>
      %dma_start3A_66 = arith.constant 0 : i32
      %dma_start3A_67 = tpu.memref_slice %arg5[%dma_start3A_62, %dma_start3A_66] : memref<8x128xi32, #tpu.memory_space<vmem>> -> memref<1x128xi32, #tpu.memory_space<vmem>>
      %dma_start3A_68 = tpu.memref_squeeze %dma_start3A_67 : memref<1x128xi32, #tpu.memory_space<vmem>> -> memref<128xi32, #tpu.memory_space<vmem>>
      %dma_start3A_69 = arith.constant 0 : i32
      %dma_start3A_70 = arith.constant 0 : i32
      %dma_start3A_71 = tpu.memref_slice %arg2[%dma_start3A_69, %dma_start3A_70] : memref<49152x16xf32, #tpu.memory_space<hbm>> -> memref<49152x16xf32, #tpu.memory_space<hbm>>
      tpu.enqueue_indirect_dma source(%dma_start3A_71 : memref<49152x16xf32, #tpu.memory_space<hbm>>) target(%dma_start3A_65 : memref<128x16xf32, #tpu.memory_space<vmem>>) offsets(%dma_start3A_68 : memref<128xi32, #tpu.memory_space<vmem>>) semaphore(%arg7 : memref<!tpu.dma_semaphore, #tpu.memory_space<semaphore_mem>>)
      %dma_start3A_72 = arith.constant 6 : i32
      %dma_start3A_73 = arith.constant 768 : i32
      %dma_start3A_74 = arith.constant 0 : i32
      %dma_start3A_75 = tpu.memref_slice %arg6[%dma_start3A_73, %dma_start3A_74] : memref<1024x16xf32, #tpu.memory_space<vmem>> -> memref<128x16xf32, #tpu.memory_space<vmem>>
      %dma_start3A_76 = arith.constant 0 : i32
      %dma_start3A_77 = tpu.memref_slice %arg5[%dma_start3A_72, %dma_start3A_76] : memref<8x128xi32, #tpu.memory_space<vmem>> -> memref<1x128xi32, #tpu.memory_space<vmem>>
      %dma_start3A_78 = tpu.memref_squeeze %dma_start3A_77 : memref<1x128xi32, #tpu.memory_space<vmem>> -> memref<128xi32, #tpu.memory_space<vmem>>
      %dma_start3A_79 = arith.constant 0 : i32
      %dma_start3A_80 = arith.constant 0 : i32
      %dma_start3A_81 = tpu.memref_slice %arg2[%dma_start3A_79, %dma_start3A_80] : memref<49152x16xf32, #tpu.memory_space<hbm>> -> memref<49152x16xf32, #tpu.memory_space<hbm>>
      tpu.enqueue_indirect_dma source(%dma_start3A_81 : memref<49152x16xf32, #tpu.memory_space<hbm>>) target(%dma_start3A_75 : memref<128x16xf32, #tpu.memory_space<vmem>>) offsets(%dma_start3A_78 : memref<128xi32, #tpu.memory_space<vmem>>) semaphore(%arg7 : memref<!tpu.dma_semaphore, #tpu.memory_space<semaphore_mem>>)
      %dma_start3A_82 = arith.constant 7 : i32
      %dma_start3A_83 = arith.constant 896 : i32
      %dma_start3A_84 = arith.constant 0 : i32
      %dma_start3A_85 = tpu.memref_slice %arg6[%dma_start3A_83, %dma_start3A_84] : memref<1024x16xf32, #tpu.memory_space<vmem>> -> memref<128x16xf32, #tpu.memory_space<vmem>>
      %dma_start3A_86 = arith.constant 0 : i32
      %dma_start3A_87 = tpu.memref_slice %arg5[%dma_start3A_82, %dma_start3A_86] : memref<8x128xi32, #tpu.memory_space<vmem>> -> memref<1x128xi32, #tpu.memory_space<vmem>>
      %dma_start3A_88 = tpu.memref_squeeze %dma_start3A_87 : memref<1x128xi32, #tpu.memory_space<vmem>> -> memref<128xi32, #tpu.memory_space<vmem>>
      %dma_start3A_89 = arith.constant 0 : i32
      %dma_start3A_90 = arith.constant 0 : i32
      %dma_start3A_91 = tpu.memref_slice %arg2[%dma_start3A_89, %dma_start3A_90] : memref<49152x16xf32, #tpu.memory_space<hbm>> -> memref<49152x16xf32, #tpu.memory_space<hbm>>
      tpu.enqueue_indirect_dma source(%dma_start3A_91 : memref<49152x16xf32, #tpu.memory_space<hbm>>) target(%dma_start3A_85 : memref<128x16xf32, #tpu.memory_space<vmem>>) offsets(%dma_start3A_88 : memref<128xi32, #tpu.memory_space<vmem>>) semaphore(%arg7 : memref<!tpu.dma_semaphore, #tpu.memory_space<semaphore_mem>>)
      %dma_wait3A = arith.constant 0 : i32
      %dma_wait3A_92 = arith.constant 0 : i32
      %dma_wait3A_93 = arith.constant 0 : i32
      %dma_wait3A_94 = tpu.memref_slice %arg6[%dma_wait3A_92, %dma_wait3A_93] : memref<1024x16xf32, #tpu.memory_space<vmem>> -> memref<128x16xf32, #tpu.memory_space<vmem>>
      %dma_wait3A_95 = arith.constant 0 : i32
      %dma_wait3A_96 = tpu.memref_slice %arg5[%dma_wait3A, %dma_wait3A_95] : memref<8x128xi32, #tpu.memory_space<vmem>> -> memref<1x128xi32, #tpu.memory_space<vmem>>
      %dma_wait3A_97 = tpu.memref_squeeze %dma_wait3A_96 : memref<1x128xi32, #tpu.memory_space<vmem>> -> memref<128xi32, #tpu.memory_space<vmem>>
      %dma_wait3A_98 = arith.constant 0 : i32
      %dma_wait3A_99 = arith.constant 0 : i32
      %dma_wait3A_100 = tpu.memref_slice %arg2[%dma_wait3A_98, %dma_wait3A_99] : memref<49152x16xf32, #tpu.memory_space<hbm>> -> memref<49152x16xf32, #tpu.memory_space<hbm>>
      tpu.wait_indirect_dma semaphore(%arg7 : memref<!tpu.dma_semaphore, #tpu.memory_space<semaphore_mem>>) src(%dma_wait3A_100 : memref<49152x16xf32, #tpu.memory_space<hbm>>) dst(%dma_wait3A_94 : memref<128x16xf32, #tpu.memory_space<vmem>>)
      %dma_wait3A_101 = arith.constant 1 : i32
      %dma_wait3A_102 = arith.constant 128 : i32
      %dma_wait3A_103 = arith.constant 0 : i32
      %dma_wait3A_104 = tpu.memref_slice %arg6[%dma_wait3A_102, %dma_wait3A_103] : memref<1024x16xf32, #tpu.memory_space<vmem>> -> memref<128x16xf32, #tpu.memory_space<vmem>>
      %dma_wait3A_105 = arith.constant 0 : i32
      %dma_wait3A_106 = tpu.memref_slice %arg5[%dma_wait3A_101, %dma_wait3A_105] : memref<8x128xi32, #tpu.memory_space<vmem>> -> memref<1x128xi32, #tpu.memory_space<vmem>>
      %dma_wait3A_107 = tpu.memref_squeeze %dma_wait3A_106 : memref<1x128xi32, #tpu.memory_space<vmem>> -> memref<128xi32, #tpu.memory_space<vmem>>
      %dma_wait3A_108 = arith.constant 0 : i32
      %dma_wait3A_109 = arith.constant 0 : i32
      %dma_wait3A_110 = tpu.memref_slice %arg2[%dma_wait3A_108, %dma_wait3A_109] : memref<49152x16xf32, #tpu.memory_space<hbm>> -> memref<49152x16xf32, #tpu.memory_space<hbm>>
      tpu.wait_indirect_dma semaphore(%arg7 : memref<!tpu.dma_semaphore, #tpu.memory_space<semaphore_mem>>) src(%dma_wait3A_110 : memref<49152x16xf32, #tpu.memory_space<hbm>>) dst(%dma_wait3A_104 : memref<128x16xf32, #tpu.memory_space<vmem>>)
      %dma_wait3A_111 = arith.constant 2 : i32
      %dma_wait3A_112 = arith.constant 256 : i32
      %dma_wait3A_113 = arith.constant 0 : i32
      %dma_wait3A_114 = tpu.memref_slice %arg6[%dma_wait3A_112, %dma_wait3A_113] : memref<1024x16xf32, #tpu.memory_space<vmem>> -> memref<128x16xf32, #tpu.memory_space<vmem>>
      %dma_wait3A_115 = arith.constant 0 : i32
      %dma_wait3A_116 = tpu.memref_slice %arg5[%dma_wait3A_111, %dma_wait3A_115] : memref<8x128xi32, #tpu.memory_space<vmem>> -> memref<1x128xi32, #tpu.memory_space<vmem>>
      %dma_wait3A_117 = tpu.memref_squeeze %dma_wait3A_116 : memref<1x128xi32, #tpu.memory_space<vmem>> -> memref<128xi32, #tpu.memory_space<vmem>>
      %dma_wait3A_118 = arith.constant 0 : i32
      %dma_wait3A_119 = arith.constant 0 : i32
      %dma_wait3A_120 = tpu.memref_slice %arg2[%dma_wait3A_118, %dma_wait3A_119] : memref<49152x16xf32, #tpu.memory_space<hbm>> -> memref<49152x16xf32, #tpu.memory_space<hbm>>
      tpu.wait_indirect_dma semaphore(%arg7 : memref<!tpu.dma_semaphore, #tpu.memory_space<semaphore_mem>>) src(%dma_wait3A_120 : memref<49152x16xf32, #tpu.memory_space<hbm>>) dst(%dma_wait3A_114 : memref<128x16xf32, #tpu.memory_space<vmem>>)
      %dma_wait3A_121 = arith.constant 3 : i32
      %dma_wait3A_122 = arith.constant 384 : i32
      %dma_wait3A_123 = arith.constant 0 : i32
      %dma_wait3A_124 = tpu.memref_slice %arg6[%dma_wait3A_122, %dma_wait3A_123] : memref<1024x16xf32, #tpu.memory_space<vmem>> -> memref<128x16xf32, #tpu.memory_space<vmem>>
      %dma_wait3A_125 = arith.constant 0 : i32
      %dma_wait3A_126 = tpu.memref_slice %arg5[%dma_wait3A_121, %dma_wait3A_125] : memref<8x128xi32, #tpu.memory_space<vmem>> -> memref<1x128xi32, #tpu.memory_space<vmem>>
      %dma_wait3A_127 = tpu.memref_squeeze %dma_wait3A_126 : memref<1x128xi32, #tpu.memory_space<vmem>> -> memref<128xi32, #tpu.memory_space<vmem>>
      %dma_wait3A_128 = arith.constant 0 : i32
      %dma_wait3A_129 = arith.constant 0 : i32
      %dma_wait3A_130 = tpu.memref_slice %arg2[%dma_wait3A_128, %dma_wait3A_129] : memref<49152x16xf32, #tpu.memory_space<hbm>> -> memref<49152x16xf32, #tpu.memory_space<hbm>>
      tpu.wait_indirect_dma semaphore(%arg7 : memref<!tpu.dma_semaphore, #tpu.memory_space<semaphore_mem>>) src(%dma_wait3A_130 : memref<49152x16xf32, #tpu.memory_space<hbm>>) dst(%dma_wait3A_124 : memref<128x16xf32, #tpu.memory_space<vmem>>)
      %dma_wait3A_131 = arith.constant 4 : i32
      %dma_wait3A_132 = arith.constant 512 : i32
      %dma_wait3A_133 = arith.constant 0 : i32
      %dma_wait3A_134 = tpu.memref_slice %arg6[%dma_wait3A_132, %dma_wait3A_133] : memref<1024x16xf32, #tpu.memory_space<vmem>> -> memref<128x16xf32, #tpu.memory_space<vmem>>
      %dma_wait3A_135 = arith.constant 0 : i32
      %dma_wait3A_136 = tpu.memref_slice %arg5[%dma_wait3A_131, %dma_wait3A_135] : memref<8x128xi32, #tpu.memory_space<vmem>> -> memref<1x128xi32, #tpu.memory_space<vmem>>
      %dma_wait3A_137 = tpu.memref_squeeze %dma_wait3A_136 : memref<1x128xi32, #tpu.memory_space<vmem>> -> memref<128xi32, #tpu.memory_space<vmem>>
      %dma_wait3A_138 = arith.constant 0 : i32
      %dma_wait3A_139 = arith.constant 0 : i32
      %dma_wait3A_140 = tpu.memref_slice %arg2[%dma_wait3A_138, %dma_wait3A_139] : memref<49152x16xf32, #tpu.memory_space<hbm>> -> memref<49152x16xf32, #tpu.memory_space<hbm>>
      tpu.wait_indirect_dma semaphore(%arg7 : memref<!tpu.dma_semaphore, #tpu.memory_space<semaphore_mem>>) src(%dma_wait3A_140 : memref<49152x16xf32, #tpu.memory_space<hbm>>) dst(%dma_wait3A_134 : memref<128x16xf32, #tpu.memory_space<vmem>>)
      %dma_wait3A_141 = arith.constant 5 : i32
      %dma_wait3A_142 = arith.constant 640 : i32
      %dma_wait3A_143 = arith.constant 0 : i32
      %dma_wait3A_144 = tpu.memref_slice %arg6[%dma_wait3A_142, %dma_wait3A_143] : memref<1024x16xf32, #tpu.memory_space<vmem>> -> memref<128x16xf32, #tpu.memory_space<vmem>>
      %dma_wait3A_145 = arith.constant 0 : i32
      %dma_wait3A_146 = tpu.memref_slice %arg5[%dma_wait3A_141, %dma_wait3A_145] : memref<8x128xi32, #tpu.memory_space<vmem>> -> memref<1x128xi32, #tpu.memory_space<vmem>>
      %dma_wait3A_147 = tpu.memref_squeeze %dma_wait3A_146 : memref<1x128xi32, #tpu.memory_space<vmem>> -> memref<128xi32, #tpu.memory_space<vmem>>
      %dma_wait3A_148 = arith.constant 0 : i32
      %dma_wait3A_149 = arith.constant 0 : i32
      %dma_wait3A_150 = tpu.memref_slice %arg2[%dma_wait3A_148, %dma_wait3A_149] : memref<49152x16xf32, #tpu.memory_space<hbm>> -> memref<49152x16xf32, #tpu.memory_space<hbm>>
      tpu.wait_indirect_dma semaphore(%arg7 : memref<!tpu.dma_semaphore, #tpu.memory_space<semaphore_mem>>) src(%dma_wait3A_150 : memref<49152x16xf32, #tpu.memory_space<hbm>>) dst(%dma_wait3A_144 : memref<128x16xf32, #tpu.memory_space<vmem>>)
      %dma_wait3A_151 = arith.constant 6 : i32
      %dma_wait3A_152 = arith.constant 768 : i32
      %dma_wait3A_153 = arith.constant 0 : i32
      %dma_wait3A_154 = tpu.memref_slice %arg6[%dma_wait3A_152, %dma_wait3A_153] : memref<1024x16xf32, #tpu.memory_space<vmem>> -> memref<128x16xf32, #tpu.memory_space<vmem>>
      %dma_wait3A_155 = arith.constant 0 : i32
      %dma_wait3A_156 = tpu.memref_slice %arg5[%dma_wait3A_151, %dma_wait3A_155] : memref<8x128xi32, #tpu.memory_space<vmem>> -> memref<1x128xi32, #tpu.memory_space<vmem>>
      %dma_wait3A_157 = tpu.memref_squeeze %dma_wait3A_156 : memref<1x128xi32, #tpu.memory_space<vmem>> -> memref<128xi32, #tpu.memory_space<vmem>>
      %dma_wait3A_158 = arith.constant 0 : i32
      %dma_wait3A_159 = arith.constant 0 : i32
      %dma_wait3A_160 = tpu.memref_slice %arg2[%dma_wait3A_158, %dma_wait3A_159] : memref<49152x16xf32, #tpu.memory_space<hbm>> -> memref<49152x16xf32, #tpu.memory_space<hbm>>
      tpu.wait_indirect_dma semaphore(%arg7 : memref<!tpu.dma_semaphore, #tpu.memory_space<semaphore_mem>>) src(%dma_wait3A_160 : memref<49152x16xf32, #tpu.memory_space<hbm>>) dst(%dma_wait3A_154 : memref<128x16xf32, #tpu.memory_space<vmem>>)
      %dma_wait3A_161 = arith.constant 7 : i32
      %dma_wait3A_162 = arith.constant 896 : i32
      %dma_wait3A_163 = arith.constant 0 : i32
      %dma_wait3A_164 = tpu.memref_slice %arg6[%dma_wait3A_162, %dma_wait3A_163] : memref<1024x16xf32, #tpu.memory_space<vmem>> -> memref<128x16xf32, #tpu.memory_space<vmem>>
      %dma_wait3A_165 = arith.constant 0 : i32
      %dma_wait3A_166 = tpu.memref_slice %arg5[%dma_wait3A_161, %dma_wait3A_165] : memref<8x128xi32, #tpu.memory_space<vmem>> -> memref<1x128xi32, #tpu.memory_space<vmem>>
      %dma_wait3A_167 = tpu.memref_squeeze %dma_wait3A_166 : memref<1x128xi32, #tpu.memory_space<vmem>> -> memref<128xi32, #tpu.memory_space<vmem>>
      %dma_wait3A_168 = arith.constant 0 : i32
      %dma_wait3A_169 = arith.constant 0 : i32
      %dma_wait3A_170 = tpu.memref_slice %arg2[%dma_wait3A_168, %dma_wait3A_169] : memref<49152x16xf32, #tpu.memory_space<hbm>> -> memref<49152x16xf32, #tpu.memory_space<hbm>>
      tpu.wait_indirect_dma semaphore(%arg7 : memref<!tpu.dma_semaphore, #tpu.memory_space<semaphore_mem>>) src(%dma_wait3A_170 : memref<49152x16xf32, #tpu.memory_space<hbm>>) dst(%dma_wait3A_164 : memref<128x16xf32, #tpu.memory_space<vmem>>)
      %mul3A_171 = arith.constant 8 : i32
      %mul3A_172 = arith.muli %scan3A_8, %mul3A_171 : i32
      %add3A_173 = arith.addi %multiple_of3A, %mul3A_172 : i32
      %mul3A_174 = arith.constant 128 : i32
      %mul3A_175 = arith.muli %add3A_173, %mul3A_174 : i32
      %multiple_of3A_176 = tpu.assume_multiple %mul3A_175, 1024 : i32
      "tpu.region"() ({
        %run_scoped3A = tpu.sem_alloc : memref<!tpu.dma_semaphore, #tpu.memory_space<semaphore_mem>>
        %dma_start3A_177 = arith.constant 0 : i32
        %dma_start3A_178 = tpu.memref_slice %arg4[%multiple_of3A_176, %dma_start3A_177] : memref<983040x16xf32, #tpu.memory_space<hbm>> -> memref<1024x16xf32, #tpu.memory_space<hbm>>
        %dma_start3A_179 = arith.constant 0 : i32
        %dma_start3A_180 = tpu.memref_slice %arg4[%multiple_of3A_176, %dma_start3A_179] : memref<983040x16xf32, #tpu.memory_space<hbm>> -> memref<1024x16xf32, #tpu.memory_space<hbm>>
        tpu.enqueue_dma source(%arg6 : memref<1024x16xf32, #tpu.memory_space<vmem>>) target(%dma_start3A_180 : memref<1024x16xf32, #tpu.memory_space<hbm>>) target_semaphore(%run_scoped3A : memref<!tpu.dma_semaphore, #tpu.memory_space<semaphore_mem>>)
        %dma_wait3A_181 = arith.constant 0 : i32
        %dma_wait3A_182 = tpu.memref_slice %arg4[%multiple_of3A_176, %dma_wait3A_181] : memref<983040x16xf32, #tpu.memory_space<hbm>> -> memref<1024x16xf32, #tpu.memory_space<hbm>>
        %dma_wait3A_183 = arith.constant 0 : i32
        %dma_wait3A_184 = tpu.memref_slice %arg4[%multiple_of3A_176, %dma_wait3A_183] : memref<983040x16xf32, #tpu.memory_space<hbm>> -> memref<1024x16xf32, #tpu.memory_space<hbm>>
        tpu.wait_dma2 semaphore(%run_scoped3A : memref<!tpu.dma_semaphore, #tpu.memory_space<semaphore_mem>>) src(%arg6 : memref<1024x16xf32, #tpu.memory_space<vmem>>) dst(%dma_wait3A_184 : memref<1024x16xf32, #tpu.memory_space<hbm>>)
        tpu.yield
      }) : () -> ()
    }
    %scan3A_7 = arith.constant 30 : i32
    return
  }
}

module attributes {stable_mosaic.version = 14 : i64} {
  func.func @_topk_body(%arg0: i32, %arg1: i32, %arg2: memref<1x1024x3xf32, #tpu.memory_space<vmem>>, %arg3: memref<1x3x2048xf32, #tpu.memory_space<vmem>>, %arg4: memref<1x1024x20xi32, #tpu.memory_space<vmem>>) attributes {dimension_semantics = [#tpu.dimension_semantics<arbitrary>, #tpu.dimension_semantics<arbitrary>], iteration_bounds = array<i64: 8, 2>, scalar_prefetch = 0 : i64, scratch_operands = 0 : i64, tpu.core_type = #tpu.core_type<tc>, window_params = [{transform_indices = @transform_0, window_bounds = array<i64: 1, 1024, 3>}, {transform_indices = @transform_1, window_bounds = array<i64: 1, 3, 2048>}, {transform_indices = @transform_2, window_bounds = array<i64: 1, 1024, 20>}]} {
    %get3A = arith.constant 0 : index
    %get3A_0 = arith.constant 0 : index
    %get3A_1 = arith.constant 0 : index
    %get3A_2 = vector.load %arg2[%get3A, %get3A_0, %get3A_1] : memref<1x1024x3xf32, #tpu.memory_space<vmem>>, vector<1x1024x3xf32>
    %get3A_3 = vector.shape_cast %get3A_2 : vector<1x1024x3xf32> to vector<1024x3xf32>
    %get3A_4 = arith.constant 0 : index
    %get3A_5 = arith.constant 0 : index
    %get3A_6 = arith.constant 0 : index
    %get3A_7 = vector.load %arg3[%get3A_4, %get3A_5, %get3A_6] : memref<1x3x2048xf32, #tpu.memory_space<vmem>>, vector<1x3x2048xf32>
    %get3A_8 = vector.shape_cast %get3A_7 : vector<1x3x2048xf32> to vector<3x2048xf32>
    %mul3A = arith.constant -2.000000e+00 : f32
    %mul3A_9 = vector.broadcast %mul3A : f32 to vector<1024x3xf32>
    %mul3A_10 = arith.mulf %get3A_3, %mul3A_9 : vector<1024x3xf32>
    %dot_general3A = arith.constant dense<0.000000e+00> : vector<1024x2048xf32>
    %dot_general3A_11 = tpu.matmul %mul3A_10, %get3A_8, %dot_general3A {dimension_numbers = #tpu.dot_dimension_numbers<[1], [0], [0], [1], [0, 0, 1, 1], [], []>, transpose_lhs_hint = false} : vector<1024x3xf32>, vector<3x2048xf32>, vector<1024x2048xf32> -> vector<1024x2048xf32>
    %mul3A_12 = arith.mulf %get3A_8, %get3A_8 : vector<3x2048xf32>
    %reduce_sum3A = arith.constant dense<0.000000e+00> : vector<2048xf32>
    %reduce_sum3A_13 = vector.multi_reduction <add>, %mul3A_12, %reduce_sum3A [0] : vector<3x2048xf32> to vector<2048xf32>
    %broadcast_in_dim3A = vector.shape_cast %reduce_sum3A_13 : vector<2048xf32> to vector<1x2048xf32>
    %add3A = vector.broadcast %broadcast_in_dim3A : vector<1x2048xf32> to vector<1024x2048xf32>
    %add3A_14 = arith.addf %add3A, %dot_general3A_11 : vector<1024x2048xf32>
    %mul3A_15 = arith.constant 0x4A800000 : f32
    %mul3A_16 = vector.broadcast %mul3A_15 : f32 to vector<1024x2048xf32>
    %mul3A_17 = arith.mulf %add3A_14, %mul3A_16 : vector<1024x2048xf32>
    %convert_element_type3A = arith.fptosi %mul3A_17 : vector<1024x2048xf32> to vector<1024x2048xi32>
    %iota3A = tpu.iota {dimensions = array<i32: 1>} : vector<1024x2048xi32>
    %and3A = arith.constant -2048 : i32
    %and3A_18 = vector.broadcast %and3A : i32 to vector<1024x2048xi32>
    %and3A_19 = arith.andi %convert_element_type3A, %and3A_18 : vector<1024x2048xi32>
    %or3A = arith.ori %and3A_19, %iota3A : vector<1024x2048xi32>
    %reduce_min3A = arith.constant dense<2147483647> : vector<1024xi32>
    %reduce_min3A_20 = vector.multi_reduction <minsi>, %or3A, %reduce_min3A [1] : vector<1024x2048xi32> to vector<1024xi32>
    %broadcast_in_dim3A_21 = vector.shape_cast %reduce_min3A_20 : vector<1024xi32> to vector<1024x1xi32>
    %and3A_22 = arith.constant 2047 : i32
    %and3A_23 = vector.broadcast %and3A_22 : i32 to vector<1024x1xi32>
    %and3A_24 = arith.andi %broadcast_in_dim3A_21, %and3A_23 : vector<1024x1xi32>
    %mul3A_25 = arith.constant 2048 : i32
    %mul3A_26 = arith.muli %arg0, %mul3A_25 : i32
    %add3A_27 = vector.broadcast %mul3A_26 : i32 to vector<1024x1xi32>
    %add3A_28 = arith.addi %and3A_24, %add3A_27 : vector<1024x1xi32>
    %swap3A = arith.constant 0 : index
    %swap3A_29 = arith.constant 0 : index
    %swap3A_30 = arith.constant 0 : index
    %swap3A_31 = vector.load %arg4[%swap3A, %swap3A_29, %swap3A_30] : memref<1x1024x20xi32, #tpu.memory_space<vmem>>, vector<1x1024x1xi32>
    %swap3A_32 = vector.shape_cast %swap3A_31 : vector<1x1024x1xi32> to vector<1024x1xi32>
    %swap3A_33 = vector.shape_cast %add3A_28 : vector<1024x1xi32> to vector<1x1024x1xi32>
    tpu.vector_store %arg4[%swap3A, %swap3A_29, %swap3A_30], %swap3A_33 {strides = array<i32>} : memref<1x1024x20xi32, #tpu.memory_space<vmem>>, vector<1x1024x1xi32>,
    %eq3A = vector.broadcast %broadcast_in_dim3A_21 : vector<1024x1xi32> to vector<1024x2048xi32>
    %eq3A_34 = arith.cmpi eq, %or3A, %eq3A : vector<1024x2048xi32>
    %jit3A = arith.constant 2147483647 : i32
    %broadcast_in_dim3A_35 = vector.broadcast %jit3A : i32 to vector<1024x2048xi32>
    %select_n3A = arith.select %eq3A_34, %broadcast_in_dim3A_35, %or3A : vector<1024x2048xi1>, vector<1024x2048xi32>
    %reduce_min3A_36 = arith.constant dense<2147483647> : vector<1024xi32>
    %reduce_min3A_37 = vector.multi_reduction <minsi>, %select_n3A, %reduce_min3A_36 [1] : vector<1024x2048xi32> to vector<1024xi32>
    %broadcast_in_dim3A_38 = vector.shape_cast %reduce_min3A_37 : vector<1024xi32> to vector<1024x1xi32>
    %and3A_39 = arith.constant 2047 : i32
    %and3A_40 = vector.broadcast %and3A_39 : i32 to vector<1024x1xi32>
    %and3A_41 = arith.andi %broadcast_in_dim3A_38, %and3A_40 : vector<1024x1xi32>
    %mul3A_42 = arith.constant 2048 : i32
    %mul3A_43 = arith.muli %arg0, %mul3A_42 : i32
    %add3A_44 = vector.broadcast %mul3A_43 : i32 to vector<1024x1xi32>
    %add3A_45 = arith.addi %and3A_41, %add3A_44 : vector<1024x1xi32>
    %swap3A_46 = arith.constant 0 : index
    %swap3A_47 = arith.constant 0 : index
    %swap3A_48 = arith.constant 1 : index
    %swap3A_49 = vector.load %arg4[%swap3A_46, %swap3A_47, %swap3A_48] : memref<1x1024x20xi32, #tpu.memory_space<vmem>>, vector<1x1024x1xi32>
    %swap3A_50 = vector.shape_cast %swap3A_49 : vector<1x1024x1xi32> to vector<1024x1xi32>
    %swap3A_51 = vector.shape_cast %add3A_45 : vector<1024x1xi32> to vector<1x1024x1xi32>
    tpu.vector_store %arg4[%swap3A_46, %swap3A_47, %swap3A_48], %swap3A_51 {strides = array<i32>} : memref<1x1024x20xi32, #tpu.memory_space<vmem>>, vector<1x1024x1xi32>,
    %eq3A_52 = vector.broadcast %broadcast_in_dim3A_38 : vector<1024x1xi32> to vector<1024x2048xi32>
    %eq3A_53 = arith.cmpi eq, %select_n3A, %eq3A_52 : vector<1024x2048xi32>
    %jit3A_54 = arith.constant 2147483647 : i32
    %broadcast_in_dim3A_55 = vector.broadcast %jit3A_54 : i32 to vector<1024x2048xi32>
    %select_n3A_56 = arith.select %eq3A_53, %broadcast_in_dim3A_55, %select_n3A : vector<1024x2048xi1>, vector<1024x2048xi32>
    %reduce_min3A_57 = arith.constant dense<2147483647> : vector<1024xi32>
    %reduce_min3A_58 = vector.multi_reduction <minsi>, %select_n3A_56, %reduce_min3A_57 [1] : vector<1024x2048xi32> to vector<1024xi32>
    %broadcast_in_dim3A_59 = vector.shape_cast %reduce_min3A_58 : vector<1024xi32> to vector<1024x1xi32>
    %and3A_60 = arith.constant 2047 : i32
    %and3A_61 = vector.broadcast %and3A_60 : i32 to vector<1024x1xi32>
    %and3A_62 = arith.andi %broadcast_in_dim3A_59, %and3A_61 : vector<1024x1xi32>
    %mul3A_63 = arith.constant 2048 : i32
    %mul3A_64 = arith.muli %arg0, %mul3A_63 : i32
    %add3A_65 = vector.broadcast %mul3A_64 : i32 to vector<1024x1xi32>
    %add3A_66 = arith.addi %and3A_62, %add3A_65 : vector<1024x1xi32>
    %swap3A_67 = arith.constant 0 : index
    %swap3A_68 = arith.constant 0 : index
    %swap3A_69 = arith.constant 2 : index
    %swap3A_70 = vector.load %arg4[%swap3A_67, %swap3A_68, %swap3A_69] : memref<1x1024x20xi32, #tpu.memory_space<vmem>>, vector<1x1024x1xi32>
    %swap3A_71 = vector.shape_cast %swap3A_70 : vector<1x1024x1xi32> to vector<1024x1xi32>
    %swap3A_72 = vector.shape_cast %add3A_66 : vector<1024x1xi32> to vector<1x1024x1xi32>
    tpu.vector_store %arg4[%swap3A_67, %swap3A_68, %swap3A_69], %swap3A_72 {strides = array<i32>} : memref<1x1024x20xi32, #tpu.memory_space<vmem>>, vector<1x1024x1xi32>,
    %eq3A_73 = vector.broadcast %broadcast_in_dim3A_59 : vector<1024x1xi32> to vector<1024x2048xi32>
    %eq3A_74 = arith.cmpi eq, %select_n3A_56, %eq3A_73 : vector<1024x2048xi32>
    %jit3A_75 = arith.constant 2147483647 : i32
    %broadcast_in_dim3A_76 = vector.broadcast %jit3A_75 : i32 to vector<1024x2048xi32>
    %select_n3A_77 = arith.select %eq3A_74, %broadcast_in_dim3A_76, %select_n3A_56 : vector<1024x2048xi1>, vector<1024x2048xi32>
    %reduce_min3A_78 = arith.constant dense<2147483647> : vector<1024xi32>
    %reduce_min3A_79 = vector.multi_reduction <minsi>, %select_n3A_77, %reduce_min3A_78 [1] : vector<1024x2048xi32> to vector<1024xi32>
    %broadcast_in_dim3A_80 = vector.shape_cast %reduce_min3A_79 : vector<1024xi32> to vector<1024x1xi32>
    %and3A_81 = arith.constant 2047 : i32
    %and3A_82 = vector.broadcast %and3A_81 : i32 to vector<1024x1xi32>
    %and3A_83 = arith.andi %broadcast_in_dim3A_80, %and3A_82 : vector<1024x1xi32>
    %mul3A_84 = arith.constant 2048 : i32
    %mul3A_85 = arith.muli %arg0, %mul3A_84 : i32
    %add3A_86 = vector.broadcast %mul3A_85 : i32 to vector<1024x1xi32>
    %add3A_87 = arith.addi %and3A_83, %add3A_86 : vector<1024x1xi32>
    %swap3A_88 = arith.constant 0 : index
    %swap3A_89 = arith.constant 0 : index
    %swap3A_90 = arith.constant 3 : index
    %swap3A_91 = vector.load %arg4[%swap3A_88, %swap3A_89, %swap3A_90] : memref<1x1024x20xi32, #tpu.memory_space<vmem>>, vector<1x1024x1xi32>
    %swap3A_92 = vector.shape_cast %swap3A_91 : vector<1x1024x1xi32> to vector<1024x1xi32>
    %swap3A_93 = vector.shape_cast %add3A_87 : vector<1024x1xi32> to vector<1x1024x1xi32>
    tpu.vector_store %arg4[%swap3A_88, %swap3A_89, %swap3A_90], %swap3A_93 {strides = array<i32>} : memref<1x1024x20xi32, #tpu.memory_space<vmem>>, vector<1x1024x1xi32>,
    %eq3A_94 = vector.broadcast %broadcast_in_dim3A_80 : vector<1024x1xi32> to vector<1024x2048xi32>
    %eq3A_95 = arith.cmpi eq, %select_n3A_77, %eq3A_94 : vector<1024x2048xi32>
    %jit3A_96 = arith.constant 2147483647 : i32
    %broadcast_in_dim3A_97 = vector.broadcast %jit3A_96 : i32 to vector<1024x2048xi32>
    %select_n3A_98 = arith.select %eq3A_95, %broadcast_in_dim3A_97, %select_n3A_77 : vector<1024x2048xi1>, vector<1024x2048xi32>
    %reduce_min3A_99 = arith.constant dense<2147483647> : vector<1024xi32>
    %reduce_min3A_100 = vector.multi_reduction <minsi>, %select_n3A_98, %reduce_min3A_99 [1] : vector<1024x2048xi32> to vector<1024xi32>
    %broadcast_in_dim3A_101 = vector.shape_cast %reduce_min3A_100 : vector<1024xi32> to vector<1024x1xi32>
    %and3A_102 = arith.constant 2047 : i32
    %and3A_103 = vector.broadcast %and3A_102 : i32 to vector<1024x1xi32>
    %and3A_104 = arith.andi %broadcast_in_dim3A_101, %and3A_103 : vector<1024x1xi32>
    %mul3A_105 = arith.constant 2048 : i32
    %mul3A_106 = arith.muli %arg0, %mul3A_105 : i32
    %add3A_107 = vector.broadcast %mul3A_106 : i32 to vector<1024x1xi32>
    %add3A_108 = arith.addi %and3A_104, %add3A_107 : vector<1024x1xi32>
    %swap3A_109 = arith.constant 0 : index
    %swap3A_110 = arith.constant 0 : index
    %swap3A_111 = arith.constant 4 : index
    %swap3A_112 = vector.load %arg4[%swap3A_109, %swap3A_110, %swap3A_111] : memref<1x1024x20xi32, #tpu.memory_space<vmem>>, vector<1x1024x1xi32>
    %swap3A_113 = vector.shape_cast %swap3A_112 : vector<1x1024x1xi32> to vector<1024x1xi32>
    %swap3A_114 = vector.shape_cast %add3A_108 : vector<1024x1xi32> to vector<1x1024x1xi32>
    tpu.vector_store %arg4[%swap3A_109, %swap3A_110, %swap3A_111], %swap3A_114 {strides = array<i32>} : memref<1x1024x20xi32, #tpu.memory_space<vmem>>, vector<1x1024x1xi32>,
    %eq3A_115 = vector.broadcast %broadcast_in_dim3A_101 : vector<1024x1xi32> to vector<1024x2048xi32>
    %eq3A_116 = arith.cmpi eq, %select_n3A_98, %eq3A_115 : vector<1024x2048xi32>
    %jit3A_117 = arith.constant 2147483647 : i32
    %broadcast_in_dim3A_118 = vector.broadcast %jit3A_117 : i32 to vector<1024x2048xi32>
    %select_n3A_119 = arith.select %eq3A_116, %broadcast_in_dim3A_118, %select_n3A_98 : vector<1024x2048xi1>, vector<1024x2048xi32>
    %reduce_min3A_120 = arith.constant dense<2147483647> : vector<1024xi32>
    %reduce_min3A_121 = vector.multi_reduction <minsi>, %select_n3A_119, %reduce_min3A_120 [1] : vector<1024x2048xi32> to vector<1024xi32>
    %broadcast_in_dim3A_122 = vector.shape_cast %reduce_min3A_121 : vector<1024xi32> to vector<1024x1xi32>
    %and3A_123 = arith.constant 2047 : i32
    %and3A_124 = vector.broadcast %and3A_123 : i32 to vector<1024x1xi32>
    %and3A_125 = arith.andi %broadcast_in_dim3A_122, %and3A_124 : vector<1024x1xi32>
    %mul3A_126 = arith.constant 2048 : i32
    %mul3A_127 = arith.muli %arg0, %mul3A_126 : i32
    %add3A_128 = vector.broadcast %mul3A_127 : i32 to vector<1024x1xi32>
    %add3A_129 = arith.addi %and3A_125, %add3A_128 : vector<1024x1xi32>
    %swap3A_130 = arith.constant 0 : index
    %swap3A_131 = arith.constant 0 : index
    %swap3A_132 = arith.constant 5 : index
    %swap3A_133 = vector.load %arg4[%swap3A_130, %swap3A_131, %swap3A_132] : memref<1x1024x20xi32, #tpu.memory_space<vmem>>, vector<1x1024x1xi32>
    %swap3A_134 = vector.shape_cast %swap3A_133 : vector<1x1024x1xi32> to vector<1024x1xi32>
    %swap3A_135 = vector.shape_cast %add3A_129 : vector<1024x1xi32> to vector<1x1024x1xi32>
    tpu.vector_store %arg4[%swap3A_130, %swap3A_131, %swap3A_132], %swap3A_135 {strides = array<i32>} : memref<1x1024x20xi32, #tpu.memory_space<vmem>>, vector<1x1024x1xi32>,
    %eq3A_136 = vector.broadcast %broadcast_in_dim3A_122 : vector<1024x1xi32> to vector<1024x2048xi32>
    %eq3A_137 = arith.cmpi eq, %select_n3A_119, %eq3A_136 : vector<1024x2048xi32>
    %jit3A_138 = arith.constant 2147483647 : i32
    %broadcast_in_dim3A_139 = vector.broadcast %jit3A_138 : i32 to vector<1024x2048xi32>
    %select_n3A_140 = arith.select %eq3A_137, %broadcast_in_dim3A_139, %select_n3A_119 : vector<1024x2048xi1>, vector<1024x2048xi32>
    %reduce_min3A_141 = arith.constant dense<2147483647> : vector<1024xi32>
    %reduce_min3A_142 = vector.multi_reduction <minsi>, %select_n3A_140, %reduce_min3A_141 [1] : vector<1024x2048xi32> to vector<1024xi32>
    %broadcast_in_dim3A_143 = vector.shape_cast %reduce_min3A_142 : vector<1024xi32> to vector<1024x1xi32>
    %and3A_144 = arith.constant 2047 : i32
    %and3A_145 = vector.broadcast %and3A_144 : i32 to vector<1024x1xi32>
    %and3A_146 = arith.andi %broadcast_in_dim3A_143, %and3A_145 : vector<1024x1xi32>
    %mul3A_147 = arith.constant 2048 : i32
    %mul3A_148 = arith.muli %arg0, %mul3A_147 : i32
    %add3A_149 = vector.broadcast %mul3A_148 : i32 to vector<1024x1xi32>
    %add3A_150 = arith.addi %and3A_146, %add3A_149 : vector<1024x1xi32>
    %swap3A_151 = arith.constant 0 : index
    %swap3A_152 = arith.constant 0 : index
    %swap3A_153 = arith.constant 6 : index
    %swap3A_154 = vector.load %arg4[%swap3A_151, %swap3A_152, %swap3A_153] : memref<1x1024x20xi32, #tpu.memory_space<vmem>>, vector<1x1024x1xi32>
    %swap3A_155 = vector.shape_cast %swap3A_154 : vector<1x1024x1xi32> to vector<1024x1xi32>
    %swap3A_156 = vector.shape_cast %add3A_150 : vector<1024x1xi32> to vector<1x1024x1xi32>
    tpu.vector_store %arg4[%swap3A_151, %swap3A_152, %swap3A_153], %swap3A_156 {strides = array<i32>} : memref<1x1024x20xi32, #tpu.memory_space<vmem>>, vector<1x1024x1xi32>,
    %eq3A_157 = vector.broadcast %broadcast_in_dim3A_143 : vector<1024x1xi32> to vector<1024x2048xi32>
    %eq3A_158 = arith.cmpi eq, %select_n3A_140, %eq3A_157 : vector<1024x2048xi32>
    %jit3A_159 = arith.constant 2147483647 : i32
    %broadcast_in_dim3A_160 = vector.broadcast %jit3A_159 : i32 to vector<1024x2048xi32>
    %select_n3A_161 = arith.select %eq3A_158, %broadcast_in_dim3A_160, %select_n3A_140 : vector<1024x2048xi1>, vector<1024x2048xi32>
    %reduce_min3A_162 = arith.constant dense<2147483647> : vector<1024xi32>
    %reduce_min3A_163 = vector.multi_reduction <minsi>, %select_n3A_161, %reduce_min3A_162 [1] : vector<1024x2048xi32> to vector<1024xi32>
    %broadcast_in_dim3A_164 = vector.shape_cast %reduce_min3A_163 : vector<1024xi32> to vector<1024x1xi32>
    %and3A_165 = arith.constant 2047 : i32
    %and3A_166 = vector.broadcast %and3A_165 : i32 to vector<1024x1xi32>
    %and3A_167 = arith.andi %broadcast_in_dim3A_164, %and3A_166 : vector<1024x1xi32>
    %mul3A_168 = arith.constant 2048 : i32
    %mul3A_169 = arith.muli %arg0, %mul3A_168 : i32
    %add3A_170 = vector.broadcast %mul3A_169 : i32 to vector<1024x1xi32>
    %add3A_171 = arith.addi %and3A_167, %add3A_170 : vector<1024x1xi32>
    %swap3A_172 = arith.constant 0 : index
    %swap3A_173 = arith.constant 0 : index
    %swap3A_174 = arith.constant 7 : index
    %swap3A_175 = vector.load %arg4[%swap3A_172, %swap3A_173, %swap3A_174] : memref<1x1024x20xi32, #tpu.memory_space<vmem>>, vector<1x1024x1xi32>
    %swap3A_176 = vector.shape_cast %swap3A_175 : vector<1x1024x1xi32> to vector<1024x1xi32>
    %swap3A_177 = vector.shape_cast %add3A_171 : vector<1024x1xi32> to vector<1x1024x1xi32>
    tpu.vector_store %arg4[%swap3A_172, %swap3A_173, %swap3A_174], %swap3A_177 {strides = array<i32>} : memref<1x1024x20xi32, #tpu.memory_space<vmem>>, vector<1x1024x1xi32>,
    %eq3A_178 = vector.broadcast %broadcast_in_dim3A_164 : vector<1024x1xi32> to vector<1024x2048xi32>
    %eq3A_179 = arith.cmpi eq, %select_n3A_161, %eq3A_178 : vector<1024x2048xi32>
    %jit3A_180 = arith.constant 2147483647 : i32
    %broadcast_in_dim3A_181 = vector.broadcast %jit3A_180 : i32 to vector<1024x2048xi32>
    %select_n3A_182 = arith.select %eq3A_179, %broadcast_in_dim3A_181, %select_n3A_161 : vector<1024x2048xi1>, vector<1024x2048xi32>
    %reduce_min3A_183 = arith.constant dense<2147483647> : vector<1024xi32>
    %reduce_min3A_184 = vector.multi_reduction <minsi>, %select_n3A_182, %reduce_min3A_183 [1] : vector<1024x2048xi32> to vector<1024xi32>
    %broadcast_in_dim3A_185 = vector.shape_cast %reduce_min3A_184 : vector<1024xi32> to vector<1024x1xi32>
    %and3A_186 = arith.constant 2047 : i32
    %and3A_187 = vector.broadcast %and3A_186 : i32 to vector<1024x1xi32>
    %and3A_188 = arith.andi %broadcast_in_dim3A_185, %and3A_187 : vector<1024x1xi32>
    %mul3A_189 = arith.constant 2048 : i32
    %mul3A_190 = arith.muli %arg0, %mul3A_189 : i32
    %add3A_191 = vector.broadcast %mul3A_190 : i32 to vector<1024x1xi32>
    %add3A_192 = arith.addi %and3A_188, %add3A_191 : vector<1024x1xi32>
    %swap3A_193 = arith.constant 0 : index
    %swap3A_194 = arith.constant 0 : index
    %swap3A_195 = arith.constant 8 : index
    %swap3A_196 = vector.load %arg4[%swap3A_193, %swap3A_194, %swap3A_195] : memref<1x1024x20xi32, #tpu.memory_space<vmem>>, vector<1x1024x1xi32>
    %swap3A_197 = vector.shape_cast %swap3A_196 : vector<1x1024x1xi32> to vector<1024x1xi32>
    %swap3A_198 = vector.shape_cast %add3A_192 : vector<1024x1xi32> to vector<1x1024x1xi32>
    tpu.vector_store %arg4[%swap3A_193, %swap3A_194, %swap3A_195], %swap3A_198 {strides = array<i32>} : memref<1x1024x20xi32, #tpu.memory_space<vmem>>, vector<1x1024x1xi32>,
    %eq3A_199 = vector.broadcast %broadcast_in_dim3A_185 : vector<1024x1xi32> to vector<1024x2048xi32>
    %eq3A_200 = arith.cmpi eq, %select_n3A_182, %eq3A_199 : vector<1024x2048xi32>
    %jit3A_201 = arith.constant 2147483647 : i32
    %broadcast_in_dim3A_202 = vector.broadcast %jit3A_201 : i32 to vector<1024x2048xi32>
    %select_n3A_203 = arith.select %eq3A_200, %broadcast_in_dim3A_202, %select_n3A_182 : vector<1024x2048xi1>, vector<1024x2048xi32>
    %reduce_min3A_204 = arith.constant dense<2147483647> : vector<1024xi32>
    %reduce_min3A_205 = vector.multi_reduction <minsi>, %select_n3A_203, %reduce_min3A_204 [1] : vector<1024x2048xi32> to vector<1024xi32>
    %broadcast_in_dim3A_206 = vector.shape_cast %reduce_min3A_205 : vector<1024xi32> to vector<1024x1xi32>
    %and3A_207 = arith.constant 2047 : i32
    %and3A_208 = vector.broadcast %and3A_207 : i32 to vector<1024x1xi32>
    %and3A_209 = arith.andi %broadcast_in_dim3A_206, %and3A_208 : vector<1024x1xi32>
    %mul3A_210 = arith.constant 2048 : i32
    %mul3A_211 = arith.muli %arg0, %mul3A_210 : i32
    %add3A_212 = vector.broadcast %mul3A_211 : i32 to vector<1024x1xi32>
    %add3A_213 = arith.addi %and3A_209, %add3A_212 : vector<1024x1xi32>
    %swap3A_214 = arith.constant 0 : index
    %swap3A_215 = arith.constant 0 : index
    %swap3A_216 = arith.constant 9 : index
    %swap3A_217 = vector.load %arg4[%swap3A_214, %swap3A_215, %swap3A_216] : memref<1x1024x20xi32, #tpu.memory_space<vmem>>, vector<1x1024x1xi32>
    %swap3A_218 = vector.shape_cast %swap3A_217 : vector<1x1024x1xi32> to vector<1024x1xi32>
    %swap3A_219 = vector.shape_cast %add3A_213 : vector<1024x1xi32> to vector<1x1024x1xi32>
    tpu.vector_store %arg4[%swap3A_214, %swap3A_215, %swap3A_216], %swap3A_219 {strides = array<i32>} : memref<1x1024x20xi32, #tpu.memory_space<vmem>>, vector<1x1024x1xi32>,
    %eq3A_220 = vector.broadcast %broadcast_in_dim3A_206 : vector<1024x1xi32> to vector<1024x2048xi32>
    %eq3A_221 = arith.cmpi eq, %select_n3A_203, %eq3A_220 : vector<1024x2048xi32>
    %jit3A_222 = arith.constant 2147483647 : i32
    %broadcast_in_dim3A_223 = vector.broadcast %jit3A_222 : i32 to vector<1024x2048xi32>
    %select_n3A_224 = arith.select %eq3A_221, %broadcast_in_dim3A_223, %select_n3A_203 : vector<1024x2048xi1>, vector<1024x2048xi32>
    %reduce_min3A_225 = arith.constant dense<2147483647> : vector<1024xi32>
    %reduce_min3A_226 = vector.multi_reduction <minsi>, %select_n3A_224, %reduce_min3A_225 [1] : vector<1024x2048xi32> to vector<1024xi32>
    %broadcast_in_dim3A_227 = vector.shape_cast %reduce_min3A_226 : vector<1024xi32> to vector<1024x1xi32>
    %and3A_228 = arith.constant 2047 : i32
    %and3A_229 = vector.broadcast %and3A_228 : i32 to vector<1024x1xi32>
    %and3A_230 = arith.andi %broadcast_in_dim3A_227, %and3A_229 : vector<1024x1xi32>
    %mul3A_231 = arith.constant 2048 : i32
    %mul3A_232 = arith.muli %arg0, %mul3A_231 : i32
    %add3A_233 = vector.broadcast %mul3A_232 : i32 to vector<1024x1xi32>
    %add3A_234 = arith.addi %and3A_230, %add3A_233 : vector<1024x1xi32>
    %swap3A_235 = arith.constant 0 : index
    %swap3A_236 = arith.constant 0 : index
    %swap3A_237 = arith.constant 10 : index
    %swap3A_238 = vector.load %arg4[%swap3A_235, %swap3A_236, %swap3A_237] : memref<1x1024x20xi32, #tpu.memory_space<vmem>>, vector<1x1024x1xi32>
    %swap3A_239 = vector.shape_cast %swap3A_238 : vector<1x1024x1xi32> to vector<1024x1xi32>
    %swap3A_240 = vector.shape_cast %add3A_234 : vector<1024x1xi32> to vector<1x1024x1xi32>
    tpu.vector_store %arg4[%swap3A_235, %swap3A_236, %swap3A_237], %swap3A_240 {strides = array<i32>} : memref<1x1024x20xi32, #tpu.memory_space<vmem>>, vector<1x1024x1xi32>,
    %eq3A_241 = vector.broadcast %broadcast_in_dim3A_227 : vector<1024x1xi32> to vector<1024x2048xi32>
    %eq3A_242 = arith.cmpi eq, %select_n3A_224, %eq3A_241 : vector<1024x2048xi32>
    %jit3A_243 = arith.constant 2147483647 : i32
    %broadcast_in_dim3A_244 = vector.broadcast %jit3A_243 : i32 to vector<1024x2048xi32>
    %select_n3A_245 = arith.select %eq3A_242, %broadcast_in_dim3A_244, %select_n3A_224 : vector<1024x2048xi1>, vector<1024x2048xi32>
    %reduce_min3A_246 = arith.constant dense<2147483647> : vector<1024xi32>
    %reduce_min3A_247 = vector.multi_reduction <minsi>, %select_n3A_245, %reduce_min3A_246 [1] : vector<1024x2048xi32> to vector<1024xi32>
    %broadcast_in_dim3A_248 = vector.shape_cast %reduce_min3A_247 : vector<1024xi32> to vector<1024x1xi32>
    %and3A_249 = arith.constant 2047 : i32
    %and3A_250 = vector.broadcast %and3A_249 : i32 to vector<1024x1xi32>
    %and3A_251 = arith.andi %broadcast_in_dim3A_248, %and3A_250 : vector<1024x1xi32>
    %mul3A_252 = arith.constant 2048 : i32
    %mul3A_253 = arith.muli %arg0, %mul3A_252 : i32
    %add3A_254 = vector.broadcast %mul3A_253 : i32 to vector<1024x1xi32>
    %add3A_255 = arith.addi %and3A_251, %add3A_254 : vector<1024x1xi32>
    %swap3A_256 = arith.constant 0 : index
    %swap3A_257 = arith.constant 0 : index
    %swap3A_258 = arith.constant 11 : index
    %swap3A_259 = vector.load %arg4[%swap3A_256, %swap3A_257, %swap3A_258] : memref<1x1024x20xi32, #tpu.memory_space<vmem>>, vector<1x1024x1xi32>
    %swap3A_260 = vector.shape_cast %swap3A_259 : vector<1x1024x1xi32> to vector<1024x1xi32>
    %swap3A_261 = vector.shape_cast %add3A_255 : vector<1024x1xi32> to vector<1x1024x1xi32>
    tpu.vector_store %arg4[%swap3A_256, %swap3A_257, %swap3A_258], %swap3A_261 {strides = array<i32>} : memref<1x1024x20xi32, #tpu.memory_space<vmem>>, vector<1x1024x1xi32>,
    %eq3A_262 = vector.broadcast %broadcast_in_dim3A_248 : vector<1024x1xi32> to vector<1024x2048xi32>
    %eq3A_263 = arith.cmpi eq, %select_n3A_245, %eq3A_262 : vector<1024x2048xi32>
    %jit3A_264 = arith.constant 2147483647 : i32
    %broadcast_in_dim3A_265 = vector.broadcast %jit3A_264 : i32 to vector<1024x2048xi32>
    %select_n3A_266 = arith.select %eq3A_263, %broadcast_in_dim3A_265, %select_n3A_245 : vector<1024x2048xi1>, vector<1024x2048xi32>
    %reduce_min3A_267 = arith.constant dense<2147483647> : vector<1024xi32>
    %reduce_min3A_268 = vector.multi_reduction <minsi>, %select_n3A_266, %reduce_min3A_267 [1] : vector<1024x2048xi32> to vector<1024xi32>
    %broadcast_in_dim3A_269 = vector.shape_cast %reduce_min3A_268 : vector<1024xi32> to vector<1024x1xi32>
    %and3A_270 = arith.constant 2047 : i32
    %and3A_271 = vector.broadcast %and3A_270 : i32 to vector<1024x1xi32>
    %and3A_272 = arith.andi %broadcast_in_dim3A_269, %and3A_271 : vector<1024x1xi32>
    %mul3A_273 = arith.constant 2048 : i32
    %mul3A_274 = arith.muli %arg0, %mul3A_273 : i32
    %add3A_275 = vector.broadcast %mul3A_274 : i32 to vector<1024x1xi32>
    %add3A_276 = arith.addi %and3A_272, %add3A_275 : vector<1024x1xi32>
    %swap3A_277 = arith.constant 0 : index
    %swap3A_278 = arith.constant 0 : index
    %swap3A_279 = arith.constant 12 : index
    %swap3A_280 = vector.load %arg4[%swap3A_277, %swap3A_278, %swap3A_279] : memref<1x1024x20xi32, #tpu.memory_space<vmem>>, vector<1x1024x1xi32>
    %swap3A_281 = vector.shape_cast %swap3A_280 : vector<1x1024x1xi32> to vector<1024x1xi32>
    %swap3A_282 = vector.shape_cast %add3A_276 : vector<1024x1xi32> to vector<1x1024x1xi32>
    tpu.vector_store %arg4[%swap3A_277, %swap3A_278, %swap3A_279], %swap3A_282 {strides = array<i32>} : memref<1x1024x20xi32, #tpu.memory_space<vmem>>, vector<1x1024x1xi32>,
    %eq3A_283 = vector.broadcast %broadcast_in_dim3A_269 : vector<1024x1xi32> to vector<1024x2048xi32>
    %eq3A_284 = arith.cmpi eq, %select_n3A_266, %eq3A_283 : vector<1024x2048xi32>
    %jit3A_285 = arith.constant 2147483647 : i32
    %broadcast_in_dim3A_286 = vector.broadcast %jit3A_285 : i32 to vector<1024x2048xi32>
    %select_n3A_287 = arith.select %eq3A_284, %broadcast_in_dim3A_286, %select_n3A_266 : vector<1024x2048xi1>, vector<1024x2048xi32>
    %reduce_min3A_288 = arith.constant dense<2147483647> : vector<1024xi32>
    %reduce_min3A_289 = vector.multi_reduction <minsi>, %select_n3A_287, %reduce_min3A_288 [1] : vector<1024x2048xi32> to vector<1024xi32>
    %broadcast_in_dim3A_290 = vector.shape_cast %reduce_min3A_289 : vector<1024xi32> to vector<1024x1xi32>
    %and3A_291 = arith.constant 2047 : i32
    %and3A_292 = vector.broadcast %and3A_291 : i32 to vector<1024x1xi32>
    %and3A_293 = arith.andi %broadcast_in_dim3A_290, %and3A_292 : vector<1024x1xi32>
    %mul3A_294 = arith.constant 2048 : i32
    %mul3A_295 = arith.muli %arg0, %mul3A_294 : i32
    %add3A_296 = vector.broadcast %mul3A_295 : i32 to vector<1024x1xi32>
    %add3A_297 = arith.addi %and3A_293, %add3A_296 : vector<1024x1xi32>
    %swap3A_298 = arith.constant 0 : index
    %swap3A_299 = arith.constant 0 : index
    %swap3A_300 = arith.constant 13 : index
    %swap3A_301 = vector.load %arg4[%swap3A_298, %swap3A_299, %swap3A_300] : memref<1x1024x20xi32, #tpu.memory_space<vmem>>, vector<1x1024x1xi32>
    %swap3A_302 = vector.shape_cast %swap3A_301 : vector<1x1024x1xi32> to vector<1024x1xi32>
    %swap3A_303 = vector.shape_cast %add3A_297 : vector<1024x1xi32> to vector<1x1024x1xi32>
    tpu.vector_store %arg4[%swap3A_298, %swap3A_299, %swap3A_300], %swap3A_303 {strides = array<i32>} : memref<1x1024x20xi32, #tpu.memory_space<vmem>>, vector<1x1024x1xi32>,
    %eq3A_304 = vector.broadcast %broadcast_in_dim3A_290 : vector<1024x1xi32> to vector<1024x2048xi32>
    %eq3A_305 = arith.cmpi eq, %select_n3A_287, %eq3A_304 : vector<1024x2048xi32>
    %jit3A_306 = arith.constant 2147483647 : i32
    %broadcast_in_dim3A_307 = vector.broadcast %jit3A_306 : i32 to vector<1024x2048xi32>
    %select_n3A_308 = arith.select %eq3A_305, %broadcast_in_dim3A_307, %select_n3A_287 : vector<1024x2048xi1>, vector<1024x2048xi32>
    %reduce_min3A_309 = arith.constant dense<2147483647> : vector<1024xi32>
    %reduce_min3A_310 = vector.multi_reduction <minsi>, %select_n3A_308, %reduce_min3A_309 [1] : vector<1024x2048xi32> to vector<1024xi32>
    %broadcast_in_dim3A_311 = vector.shape_cast %reduce_min3A_310 : vector<1024xi32> to vector<1024x1xi32>
    %and3A_312 = arith.constant 2047 : i32
    %and3A_313 = vector.broadcast %and3A_312 : i32 to vector<1024x1xi32>
    %and3A_314 = arith.andi %broadcast_in_dim3A_311, %and3A_313 : vector<1024x1xi32>
    %mul3A_315 = arith.constant 2048 : i32
    %mul3A_316 = arith.muli %arg0, %mul3A_315 : i32
    %add3A_317 = vector.broadcast %mul3A_316 : i32 to vector<1024x1xi32>
    %add3A_318 = arith.addi %and3A_314, %add3A_317 : vector<1024x1xi32>
    %swap3A_319 = arith.constant 0 : index
    %swap3A_320 = arith.constant 0 : index
    %swap3A_321 = arith.constant 14 : index
    %swap3A_322 = vector.load %arg4[%swap3A_319, %swap3A_320, %swap3A_321] : memref<1x1024x20xi32, #tpu.memory_space<vmem>>, vector<1x1024x1xi32>
    %swap3A_323 = vector.shape_cast %swap3A_322 : vector<1x1024x1xi32> to vector<1024x1xi32>
    %swap3A_324 = vector.shape_cast %add3A_318 : vector<1024x1xi32> to vector<1x1024x1xi32>
    tpu.vector_store %arg4[%swap3A_319, %swap3A_320, %swap3A_321], %swap3A_324 {strides = array<i32>} : memref<1x1024x20xi32, #tpu.memory_space<vmem>>, vector<1x1024x1xi32>,
    %eq3A_325 = vector.broadcast %broadcast_in_dim3A_311 : vector<1024x1xi32> to vector<1024x2048xi32>
    %eq3A_326 = arith.cmpi eq, %select_n3A_308, %eq3A_325 : vector<1024x2048xi32>
    %jit3A_327 = arith.constant 2147483647 : i32
    %broadcast_in_dim3A_328 = vector.broadcast %jit3A_327 : i32 to vector<1024x2048xi32>
    %select_n3A_329 = arith.select %eq3A_326, %broadcast_in_dim3A_328, %select_n3A_308 : vector<1024x2048xi1>, vector<1024x2048xi32>
    %reduce_min3A_330 = arith.constant dense<2147483647> : vector<1024xi32>
    %reduce_min3A_331 = vector.multi_reduction <minsi>, %select_n3A_329, %reduce_min3A_330 [1] : vector<1024x2048xi32> to vector<1024xi32>
    %broadcast_in_dim3A_332 = vector.shape_cast %reduce_min3A_331 : vector<1024xi32> to vector<1024x1xi32>
    %and3A_333 = arith.constant 2047 : i32
    %and3A_334 = vector.broadcast %and3A_333 : i32 to vector<1024x1xi32>
    %and3A_335 = arith.andi %broadcast_in_dim3A_332, %and3A_334 : vector<1024x1xi32>
    %mul3A_336 = arith.constant 2048 : i32
    %mul3A_337 = arith.muli %arg0, %mul3A_336 : i32
    %add3A_338 = vector.broadcast %mul3A_337 : i32 to vector<1024x1xi32>
    %add3A_339 = arith.addi %and3A_335, %add3A_338 : vector<1024x1xi32>
    %swap3A_340 = arith.constant 0 : index
    %swap3A_341 = arith.constant 0 : index
    %swap3A_342 = arith.constant 15 : index
    %swap3A_343 = vector.load %arg4[%swap3A_340, %swap3A_341, %swap3A_342] : memref<1x1024x20xi32, #tpu.memory_space<vmem>>, vector<1x1024x1xi32>
    %swap3A_344 = vector.shape_cast %swap3A_343 : vector<1x1024x1xi32> to vector<1024x1xi32>
    %swap3A_345 = vector.shape_cast %add3A_339 : vector<1024x1xi32> to vector<1x1024x1xi32>
    tpu.vector_store %arg4[%swap3A_340, %swap3A_341, %swap3A_342], %swap3A_345 {strides = array<i32>} : memref<1x1024x20xi32, #tpu.memory_space<vmem>>, vector<1x1024x1xi32>,
    %eq3A_346 = vector.broadcast %broadcast_in_dim3A_332 : vector<1024x1xi32> to vector<1024x2048xi32>
    %eq3A_347 = arith.cmpi eq, %select_n3A_329, %eq3A_346 : vector<1024x2048xi32>
    %jit3A_348 = arith.constant 2147483647 : i32
    %broadcast_in_dim3A_349 = vector.broadcast %jit3A_348 : i32 to vector<1024x2048xi32>
    %select_n3A_350 = arith.select %eq3A_347, %broadcast_in_dim3A_349, %select_n3A_329 : vector<1024x2048xi1>, vector<1024x2048xi32>
    %reduce_min3A_351 = arith.constant dense<2147483647> : vector<1024xi32>
    %reduce_min3A_352 = vector.multi_reduction <minsi>, %select_n3A_350, %reduce_min3A_351 [1] : vector<1024x2048xi32> to vector<1024xi32>
    %broadcast_in_dim3A_353 = vector.shape_cast %reduce_min3A_352 : vector<1024xi32> to vector<1024x1xi32>
    %and3A_354 = arith.constant 2047 : i32
    %and3A_355 = vector.broadcast %and3A_354 : i32 to vector<1024x1xi32>
    %and3A_356 = arith.andi %broadcast_in_dim3A_353, %and3A_355 : vector<1024x1xi32>
    %mul3A_357 = arith.constant 2048 : i32
    %mul3A_358 = arith.muli %arg0, %mul3A_357 : i32
    %add3A_359 = vector.broadcast %mul3A_358 : i32 to vector<1024x1xi32>
    %add3A_360 = arith.addi %and3A_356, %add3A_359 : vector<1024x1xi32>
    %swap3A_361 = arith.constant 0 : index
    %swap3A_362 = arith.constant 0 : index
    %swap3A_363 = arith.constant 16 : index
    %swap3A_364 = vector.load %arg4[%swap3A_361, %swap3A_362, %swap3A_363] : memref<1x1024x20xi32, #tpu.memory_space<vmem>>, vector<1x1024x1xi32>
    %swap3A_365 = vector.shape_cast %swap3A_364 : vector<1x1024x1xi32> to vector<1024x1xi32>
    %swap3A_366 = vector.shape_cast %add3A_360 : vector<1024x1xi32> to vector<1x1024x1xi32>
    tpu.vector_store %arg4[%swap3A_361, %swap3A_362, %swap3A_363], %swap3A_366 {strides = array<i32>} : memref<1x1024x20xi32, #tpu.memory_space<vmem>>, vector<1x1024x1xi32>,
    %eq3A_367 = vector.broadcast %broadcast_in_dim3A_353 : vector<1024x1xi32> to vector<1024x2048xi32>
    %eq3A_368 = arith.cmpi eq, %select_n3A_350, %eq3A_367 : vector<1024x2048xi32>
    %jit3A_369 = arith.constant 2147483647 : i32
    %broadcast_in_dim3A_370 = vector.broadcast %jit3A_369 : i32 to vector<1024x2048xi32>
    %select_n3A_371 = arith.select %eq3A_368, %broadcast_in_dim3A_370, %select_n3A_350 : vector<1024x2048xi1>, vector<1024x2048xi32>
    %reduce_min3A_372 = arith.constant dense<2147483647> : vector<1024xi32>
    %reduce_min3A_373 = vector.multi_reduction <minsi>, %select_n3A_371, %reduce_min3A_372 [1] : vector<1024x2048xi32> to vector<1024xi32>
    %broadcast_in_dim3A_374 = vector.shape_cast %reduce_min3A_373 : vector<1024xi32> to vector<1024x1xi32>
    %and3A_375 = arith.constant 2047 : i32
    %and3A_376 = vector.broadcast %and3A_375 : i32 to vector<1024x1xi32>
    %and3A_377 = arith.andi %broadcast_in_dim3A_374, %and3A_376 : vector<1024x1xi32>
    %mul3A_378 = arith.constant 2048 : i32
    %mul3A_379 = arith.muli %arg0, %mul3A_378 : i32
    %add3A_380 = vector.broadcast %mul3A_379 : i32 to vector<1024x1xi32>
    %add3A_381 = arith.addi %and3A_377, %add3A_380 : vector<1024x1xi32>
    %swap3A_382 = arith.constant 0 : index
    %swap3A_383 = arith.constant 0 : index
    %swap3A_384 = arith.constant 17 : index
    %swap3A_385 = vector.load %arg4[%swap3A_382, %swap3A_383, %swap3A_384] : memref<1x1024x20xi32, #tpu.memory_space<vmem>>, vector<1x1024x1xi32>
    %swap3A_386 = vector.shape_cast %swap3A_385 : vector<1x1024x1xi32> to vector<1024x1xi32>
    %swap3A_387 = vector.shape_cast %add3A_381 : vector<1024x1xi32> to vector<1x1024x1xi32>
    tpu.vector_store %arg4[%swap3A_382, %swap3A_383, %swap3A_384], %swap3A_387 {strides = array<i32>} : memref<1x1024x20xi32, #tpu.memory_space<vmem>>, vector<1x1024x1xi32>,
    %eq3A_388 = vector.broadcast %broadcast_in_dim3A_374 : vector<1024x1xi32> to vector<1024x2048xi32>
    %eq3A_389 = arith.cmpi eq, %select_n3A_371, %eq3A_388 : vector<1024x2048xi32>
    %jit3A_390 = arith.constant 2147483647 : i32
    %broadcast_in_dim3A_391 = vector.broadcast %jit3A_390 : i32 to vector<1024x2048xi32>
    %select_n3A_392 = arith.select %eq3A_389, %broadcast_in_dim3A_391, %select_n3A_371 : vector<1024x2048xi1>, vector<1024x2048xi32>
    %reduce_min3A_393 = arith.constant dense<2147483647> : vector<1024xi32>
    %reduce_min3A_394 = vector.multi_reduction <minsi>, %select_n3A_392, %reduce_min3A_393 [1] : vector<1024x2048xi32> to vector<1024xi32>
    %broadcast_in_dim3A_395 = vector.shape_cast %reduce_min3A_394 : vector<1024xi32> to vector<1024x1xi32>
    %and3A_396 = arith.constant 2047 : i32
    %and3A_397 = vector.broadcast %and3A_396 : i32 to vector<1024x1xi32>
    %and3A_398 = arith.andi %broadcast_in_dim3A_395, %and3A_397 : vector<1024x1xi32>
    %mul3A_399 = arith.constant 2048 : i32
    %mul3A_400 = arith.muli %arg0, %mul3A_399 : i32
    %add3A_401 = vector.broadcast %mul3A_400 : i32 to vector<1024x1xi32>
    %add3A_402 = arith.addi %and3A_398, %add3A_401 : vector<1024x1xi32>
    %swap3A_403 = arith.constant 0 : index
    %swap3A_404 = arith.constant 0 : index
    %swap3A_405 = arith.constant 18 : index
    %swap3A_406 = vector.load %arg4[%swap3A_403, %swap3A_404, %swap3A_405] : memref<1x1024x20xi32, #tpu.memory_space<vmem>>, vector<1x1024x1xi32>
    %swap3A_407 = vector.shape_cast %swap3A_406 : vector<1x1024x1xi32> to vector<1024x1xi32>
    %swap3A_408 = vector.shape_cast %add3A_402 : vector<1024x1xi32> to vector<1x1024x1xi32>
    tpu.vector_store %arg4[%swap3A_403, %swap3A_404, %swap3A_405], %swap3A_408 {strides = array<i32>} : memref<1x1024x20xi32, #tpu.memory_space<vmem>>, vector<1x1024x1xi32>,
    %eq3A_409 = vector.broadcast %broadcast_in_dim3A_395 : vector<1024x1xi32> to vector<1024x2048xi32>
    %eq3A_410 = arith.cmpi eq, %select_n3A_392, %eq3A_409 : vector<1024x2048xi32>
    %jit3A_411 = arith.constant 2147483647 : i32
    %broadcast_in_dim3A_412 = vector.broadcast %jit3A_411 : i32 to vector<1024x2048xi32>
    %select_n3A_413 = arith.select %eq3A_410, %broadcast_in_dim3A_412, %select_n3A_392 : vector<1024x2048xi1>, vector<1024x2048xi32>
    %reduce_min3A_414 = arith.constant dense<2147483647> : vector<1024xi32>
    %reduce_min3A_415 = vector.multi_reduction <minsi>, %select_n3A_413, %reduce_min3A_414 [1] : vector<1024x2048xi32> to vector<1024xi32>
    %broadcast_in_dim3A_416 = vector.shape_cast %reduce_min3A_415 : vector<1024xi32> to vector<1024x1xi32>
    %and3A_417 = arith.constant 2047 : i32
    %and3A_418 = vector.broadcast %and3A_417 : i32 to vector<1024x1xi32>
    %and3A_419 = arith.andi %broadcast_in_dim3A_416, %and3A_418 : vector<1024x1xi32>
    %mul3A_420 = arith.constant 2048 : i32
    %mul3A_421 = arith.muli %arg0, %mul3A_420 : i32
    %add3A_422 = vector.broadcast %mul3A_421 : i32 to vector<1024x1xi32>
    %add3A_423 = arith.addi %and3A_419, %add3A_422 : vector<1024x1xi32>
    %swap3A_424 = arith.constant 0 : index
    %swap3A_425 = arith.constant 0 : index
    %swap3A_426 = arith.constant 19 : index
    %swap3A_427 = vector.load %arg4[%swap3A_424, %swap3A_425, %swap3A_426] : memref<1x1024x20xi32, #tpu.memory_space<vmem>>, vector<1x1024x1xi32>
    %swap3A_428 = vector.shape_cast %swap3A_427 : vector<1x1024x1xi32> to vector<1024x1xi32>
    %swap3A_429 = vector.shape_cast %add3A_423 : vector<1024x1xi32> to vector<1x1024x1xi32>
    tpu.vector_store %arg4[%swap3A_424, %swap3A_425, %swap3A_426], %swap3A_429 {strides = array<i32>} : memref<1x1024x20xi32, #tpu.memory_space<vmem>>, vector<1x1024x1xi32>,
    return
  }
  func.func @transform_0(%arg0: i32, %arg1: i32) -> (i32, i32, i32) {
    %c0_i32 = arith.constant 0 : i32
    %c0_i32_0 = arith.constant 0 : i32
    return %arg0, %arg1, %c0_i32 : i32, i32, i32
  }
  func.func @transform_1(%arg0: i32, %arg1: i32) -> (i32, i32, i32) {
    %c0_i32 = arith.constant 0 : i32
    %c0_i32_0 = arith.constant 0 : i32
    %c0_i32_1 = arith.constant 0 : i32
    return %arg0, %c0_i32, %c0_i32_0 : i32, i32, i32
  }
  func.func @transform_2(%arg0: i32, %arg1: i32) -> (i32, i32, i32) {
    %c0_i32 = arith.constant 0 : i32
    %c0_i32_0 = arith.constant 0 : i32
    return %arg0, %arg1, %c0_i32 : i32, i32, i32
  }
}

module attributes {stable_mosaic.version = 14 : i64} {
  func.func @body(%arg0: i32, %arg1: i32, %arg2: memref<1x2048x320xf32, #tpu.memory_space<vmem>>, %arg3: memref<16x320xf32, #tpu.memory_space<vmem>>, %arg4: memref<1x2048x16xf32, #tpu.memory_space<vmem>>) attributes {dimension_semantics = [#tpu.dimension_semantics<arbitrary>, #tpu.dimension_semantics<arbitrary>], iteration_bounds = array<i64: 3, 8>, scalar_prefetch = 0 : i64, scratch_operands = 0 : i64, tpu.core_type = #tpu.core_type<tc>, window_params = [{transform_indices = @transform_0, window_bounds = array<i64: 1, 2048, 320>}, {pipeline_mode = #tpu.pipeline_mode<synchronous>, transform_indices = @transform_1, window_bounds = array<i64: 16, 320>}, {transform_indices = @transform_2, window_bounds = array<i64: 1, 2048, 16>}]} {
    %get3A = arith.constant 0 : index
    %get3A_0 = arith.constant 0 : index
    %get3A_1 = vector.load %arg3[%get3A, %get3A_0] : memref<16x320xf32, #tpu.memory_space<vmem>>, vector<16x320xf32>
    %reduce_max3A = arith.constant dense<0xFF800000> : vector<16xf32>
    %reduce_max3A_2 = vector.multi_reduction <maximumf>, %get3A_1, %reduce_max3A [1] : vector<16x320xf32> to vector<16xf32>
    %max3A = arith.constant 0xFF800000 : f32
    %max3A_3 = vector.broadcast %max3A : f32 to vector<16xf32>
    %max3A_4 = arith.maximumf %max3A_3, %reduce_max3A_2 : vector<16xf32>
    %broadcast_in_dim3A = vector.shape_cast %max3A_4 : vector<16xf32> to vector<16x1xf32>
    %sub3A = vector.broadcast %broadcast_in_dim3A : vector<16x1xf32> to vector<16x320xf32>
    %sub3A_5 = arith.subf %get3A_1, %sub3A : vector<16x320xf32>
    %exp3A = math.exp %sub3A_5 : vector<16x320xf32>
    %reduce_sum3A = arith.constant dense<0.000000e+00> : vector<16xf32>
    %reduce_sum3A_6 = vector.multi_reduction <add>, %exp3A, %reduce_sum3A [1] : vector<16x320xf32> to vector<16xf32>
    %broadcast_in_dim3A_7 = vector.shape_cast %reduce_sum3A_6 : vector<16xf32> to vector<16x1xf32>
    %div3A = vector.broadcast %broadcast_in_dim3A_7 : vector<16x1xf32> to vector<16x320xf32>
    %div3A_8 = arith.divf %exp3A, %div3A : vector<16x320xf32>
    %get3A_9 = arith.constant 0 : index
    %get3A_10 = arith.constant 0 : index
    %get3A_11 = arith.constant 0 : index
    %get3A_12 = vector.load %arg2[%get3A_9, %get3A_10, %get3A_11] : memref<1x2048x320xf32, #tpu.memory_space<vmem>>, vector<1x2048x320xf32>
    %get3A_13 = vector.shape_cast %get3A_12 : vector<1x2048x320xf32> to vector<2048x320xf32>
    %dot_general3A = arith.constant dense<0.000000e+00> : vector<2048x16xf32>
    %dot_general3A_14 = tpu.matmul %get3A_13, %div3A_8, %dot_general3A {dimension_numbers = #tpu.dot_dimension_numbers<[1], [1], [0], [0], [0, 0, 1, 0], [], []>, transpose_lhs_hint = false} : vector<2048x320xf32>, vector<16x320xf32>, vector<2048x16xf32> -> vector<2048x16xf32>
    %swap3A = arith.constant 0 : index
    %swap3A_15 = arith.constant 0 : index
    %swap3A_16 = arith.constant 0 : index
    %swap3A_17 = vector.load %arg4[%swap3A, %swap3A_15, %swap3A_16] : memref<1x2048x16xf32, #tpu.memory_space<vmem>>, vector<1x2048x16xf32>
    %swap3A_18 = vector.shape_cast %swap3A_17 : vector<1x2048x16xf32> to vector<2048x16xf32>
    %swap3A_19 = vector.shape_cast %dot_general3A_14 : vector<2048x16xf32> to vector<1x2048x16xf32>
    tpu.vector_store %arg4[%swap3A, %swap3A_15, %swap3A_16], %swap3A_19 {strides = array<i32>} : memref<1x2048x16xf32, #tpu.memory_space<vmem>>, vector<1x2048x16xf32>,
    return
  }
  func.func @transform_0(%arg0: i32, %arg1: i32) -> (i32, i32, i32) {
    %c0_i32 = arith.constant 0 : i32
    %c0_i32_0 = arith.constant 0 : i32
    return %arg0, %arg1, %c0_i32 : i32, i32, i32
  }
  func.func @transform_1(%arg0: i32, %arg1: i32) -> (i32, i32) {
    %c0_i32 = arith.constant 0 : i32
    %c0_i32_0 = arith.constant 0 : i32
    %c0_i32_1 = arith.constant 0 : i32
    return %c0_i32, %c0_i32_0 : i32, i32
  }
  func.func @transform_2(%arg0: i32, %arg1: i32) -> (i32, i32, i32) {
    %c0_i32 = arith.constant 0 : i32
    %c0_i32_0 = arith.constant 0 : i32
    return %arg0, %arg1, %c0_i32 : i32, i32, i32
  }
}

module attributes {stable_mosaic.version = 14 : i64} {
  func.func @body(%arg0: i32, %arg1: i32, %arg2: memref<1x2048x320xf32, #tpu.memory_space<vmem>>, %arg3: memref<32x320xf32, #tpu.memory_space<vmem>>, %arg4: memref<1x2048x32xf32, #tpu.memory_space<vmem>>) attributes {dimension_semantics = [#tpu.dimension_semantics<arbitrary>, #tpu.dimension_semantics<arbitrary>], iteration_bounds = array<i64: 3, 8>, scalar_prefetch = 0 : i64, scratch_operands = 0 : i64, tpu.core_type = #tpu.core_type<tc>, window_params = [{transform_indices = @transform_0, window_bounds = array<i64: 1, 2048, 320>}, {pipeline_mode = #tpu.pipeline_mode<synchronous>, transform_indices = @transform_1, window_bounds = array<i64: 32, 320>}, {transform_indices = @transform_2, window_bounds = array<i64: 1, 2048, 32>}]} {
    %get3A = arith.constant 0 : index
    %get3A_0 = arith.constant 0 : index
    %get3A_1 = vector.load %arg3[%get3A, %get3A_0] : memref<32x320xf32, #tpu.memory_space<vmem>>, vector<32x320xf32>
    %reduce_max3A = arith.constant dense<0xFF800000> : vector<32xf32>
    %reduce_max3A_2 = vector.multi_reduction <maximumf>, %get3A_1, %reduce_max3A [1] : vector<32x320xf32> to vector<32xf32>
    %max3A = arith.constant 0xFF800000 : f32
    %max3A_3 = vector.broadcast %max3A : f32 to vector<32xf32>
    %max3A_4 = arith.maximumf %max3A_3, %reduce_max3A_2 : vector<32xf32>
    %broadcast_in_dim3A = vector.shape_cast %max3A_4 : vector<32xf32> to vector<32x1xf32>
    %sub3A = vector.broadcast %broadcast_in_dim3A : vector<32x1xf32> to vector<32x320xf32>
    %sub3A_5 = arith.subf %get3A_1, %sub3A : vector<32x320xf32>
    %exp3A = math.exp %sub3A_5 : vector<32x320xf32>
    %reduce_sum3A = arith.constant dense<0.000000e+00> : vector<32xf32>
    %reduce_sum3A_6 = vector.multi_reduction <add>, %exp3A, %reduce_sum3A [1] : vector<32x320xf32> to vector<32xf32>
    %broadcast_in_dim3A_7 = vector.shape_cast %reduce_sum3A_6 : vector<32xf32> to vector<32x1xf32>
    %div3A = vector.broadcast %broadcast_in_dim3A_7 : vector<32x1xf32> to vector<32x320xf32>
    %div3A_8 = arith.divf %exp3A, %div3A : vector<32x320xf32>
    %get3A_9 = arith.constant 0 : index
    %get3A_10 = arith.constant 0 : index
    %get3A_11 = arith.constant 0 : index
    %get3A_12 = vector.load %arg2[%get3A_9, %get3A_10, %get3A_11] : memref<1x2048x320xf32, #tpu.memory_space<vmem>>, vector<1x2048x320xf32>
    %get3A_13 = vector.shape_cast %get3A_12 : vector<1x2048x320xf32> to vector<2048x320xf32>
    %dot_general3A = arith.constant dense<0.000000e+00> : vector<2048x32xf32>
    %dot_general3A_14 = tpu.matmul %get3A_13, %div3A_8, %dot_general3A {dimension_numbers = #tpu.dot_dimension_numbers<[1], [1], [0], [0], [0, 0, 1, 0], [], []>, transpose_lhs_hint = false} : vector<2048x320xf32>, vector<32x320xf32>, vector<2048x32xf32> -> vector<2048x32xf32>
    %swap3A = arith.constant 0 : index
    %swap3A_15 = arith.constant 0 : index
    %swap3A_16 = arith.constant 0 : index
    %swap3A_17 = vector.load %arg4[%swap3A, %swap3A_15, %swap3A_16] : memref<1x2048x32xf32, #tpu.memory_space<vmem>>, vector<1x2048x32xf32>
    %swap3A_18 = vector.shape_cast %swap3A_17 : vector<1x2048x32xf32> to vector<2048x32xf32>
    %swap3A_19 = vector.shape_cast %dot_general3A_14 : vector<2048x32xf32> to vector<1x2048x32xf32>
    tpu.vector_store %arg4[%swap3A, %swap3A_15, %swap3A_16], %swap3A_19 {strides = array<i32>} : memref<1x2048x32xf32, #tpu.memory_space<vmem>>, vector<1x2048x32xf32>,
    return
  }
  func.func @transform_0(%arg0: i32, %arg1: i32) -> (i32, i32, i32) {
    %c0_i32 = arith.constant 0 : i32
    %c0_i32_0 = arith.constant 0 : i32
    return %arg0, %arg1, %c0_i32 : i32, i32, i32
  }
  func.func @transform_1(%arg0: i32, %arg1: i32) -> (i32, i32) {
    %c0_i32 = arith.constant 0 : i32
    %c0_i32_0 = arith.constant 0 : i32
    %c0_i32_1 = arith.constant 0 : i32
    return %c0_i32, %c0_i32_0 : i32, i32
  }
  func.func @transform_2(%arg0: i32, %arg1: i32) -> (i32, i32, i32) {
    %c0_i32 = arith.constant 0 : i32
    %c0_i32_0 = arith.constant 0 : i32
    return %arg0, %arg1, %c0_i32 : i32, i32, i32
  }
}

module attributes {stable_mosaic.version = 14 : i64} {
  func.func @body(%arg0: i32, %arg1: i32, %arg2: memref<1x2048x640xf32, #tpu.memory_space<vmem>>, %arg3: memref<32x640xf32, #tpu.memory_space<vmem>>, %arg4: memref<1x2048x32xf32, #tpu.memory_space<vmem>>) attributes {dimension_semantics = [#tpu.dimension_semantics<arbitrary>, #tpu.dimension_semantics<arbitrary>], iteration_bounds = array<i64: 3, 8>, scalar_prefetch = 0 : i64, scratch_operands = 0 : i64, tpu.core_type = #tpu.core_type<tc>, window_params = [{transform_indices = @transform_0, window_bounds = array<i64: 1, 2048, 640>}, {pipeline_mode = #tpu.pipeline_mode<synchronous>, transform_indices = @transform_1, window_bounds = array<i64: 32, 640>}, {transform_indices = @transform_2, window_bounds = array<i64: 1, 2048, 32>}]} {
    %get3A = arith.constant 0 : index
    %get3A_0 = arith.constant 0 : index
    %get3A_1 = vector.load %arg3[%get3A, %get3A_0] : memref<32x640xf32, #tpu.memory_space<vmem>>, vector<32x640xf32>
    %reduce_max3A = arith.constant dense<0xFF800000> : vector<32xf32>
    %reduce_max3A_2 = vector.multi_reduction <maximumf>, %get3A_1, %reduce_max3A [1] : vector<32x640xf32> to vector<32xf32>
    %max3A = arith.constant 0xFF800000 : f32
    %max3A_3 = vector.broadcast %max3A : f32 to vector<32xf32>
    %max3A_4 = arith.maximumf %max3A_3, %reduce_max3A_2 : vector<32xf32>
    %broadcast_in_dim3A = vector.shape_cast %max3A_4 : vector<32xf32> to vector<32x1xf32>
    %sub3A = vector.broadcast %broadcast_in_dim3A : vector<32x1xf32> to vector<32x640xf32>
    %sub3A_5 = arith.subf %get3A_1, %sub3A : vector<32x640xf32>
    %exp3A = math.exp %sub3A_5 : vector<32x640xf32>
    %reduce_sum3A = arith.constant dense<0.000000e+00> : vector<32xf32>
    %reduce_sum3A_6 = vector.multi_reduction <add>, %exp3A, %reduce_sum3A [1] : vector<32x640xf32> to vector<32xf32>
    %broadcast_in_dim3A_7 = vector.shape_cast %reduce_sum3A_6 : vector<32xf32> to vector<32x1xf32>
    %div3A = vector.broadcast %broadcast_in_dim3A_7 : vector<32x1xf32> to vector<32x640xf32>
    %div3A_8 = arith.divf %exp3A, %div3A : vector<32x640xf32>
    %get3A_9 = arith.constant 0 : index
    %get3A_10 = arith.constant 0 : index
    %get3A_11 = arith.constant 0 : index
    %get3A_12 = vector.load %arg2[%get3A_9, %get3A_10, %get3A_11] : memref<1x2048x640xf32, #tpu.memory_space<vmem>>, vector<1x2048x640xf32>
    %get3A_13 = vector.shape_cast %get3A_12 : vector<1x2048x640xf32> to vector<2048x640xf32>
    %dot_general3A = arith.constant dense<0.000000e+00> : vector<2048x32xf32>
    %dot_general3A_14 = tpu.matmul %get3A_13, %div3A_8, %dot_general3A {dimension_numbers = #tpu.dot_dimension_numbers<[1], [1], [0], [0], [0, 0, 1, 0], [], []>, transpose_lhs_hint = false} : vector<2048x640xf32>, vector<32x640xf32>, vector<2048x32xf32> -> vector<2048x32xf32>
    %swap3A = arith.constant 0 : index
    %swap3A_15 = arith.constant 0 : index
    %swap3A_16 = arith.constant 0 : index
    %swap3A_17 = vector.load %arg4[%swap3A, %swap3A_15, %swap3A_16] : memref<1x2048x32xf32, #tpu.memory_space<vmem>>, vector<1x2048x32xf32>
    %swap3A_18 = vector.shape_cast %swap3A_17 : vector<1x2048x32xf32> to vector<2048x32xf32>
    %swap3A_19 = vector.shape_cast %dot_general3A_14 : vector<2048x32xf32> to vector<1x2048x32xf32>
    tpu.vector_store %arg4[%swap3A, %swap3A_15, %swap3A_16], %swap3A_19 {strides = array<i32>} : memref<1x2048x32xf32, #tpu.memory_space<vmem>>, vector<1x2048x32xf32>,
    return
  }
  func.func @transform_0(%arg0: i32, %arg1: i32) -> (i32, i32, i32) {
    %c0_i32 = arith.constant 0 : i32
    %c0_i32_0 = arith.constant 0 : i32
    return %arg0, %arg1, %c0_i32 : i32, i32, i32
  }
  func.func @transform_1(%arg0: i32, %arg1: i32) -> (i32, i32) {
    %c0_i32 = arith.constant 0 : i32
    %c0_i32_0 = arith.constant 0 : i32
    %c0_i32_1 = arith.constant 0 : i32
    return %c0_i32, %c0_i32_0 : i32, i32
  }
  func.func @transform_2(%arg0: i32, %arg1: i32) -> (i32, i32, i32) {
    %c0_i32 = arith.constant 0 : i32
    %c0_i32_0 = arith.constant 0 : i32
    return %arg0, %arg1, %c0_i32 : i32, i32, i32
  }
}

module attributes {stable_mosaic.version = 14 : i64} {
  func.func @_head_body(%arg0: memref<3x16384x32xf32, #tpu.memory_space<vmem>>, %arg1: memref<3x32xf32, #tpu.memory_space<vmem>>, %arg2: memref<32x40xf32, #tpu.memory_space<vmem>>, %arg3: memref<8x40xf32, #tpu.memory_space<vmem>>) attributes {dimension_semantics = [], scalar_prefetch = 0 : i64, scratch_operands = 0 : i64, tpu.core_type = #tpu.core_type<tc>} {
    %get3A = arith.constant 0 : index
    %get3A_0 = arith.constant 0 : index
    %get3A_1 = arith.constant 0 : index
    %get3A_2 = vector.load %arg0[%get3A, %get3A_0, %get3A_1] : memref<3x16384x32xf32, #tpu.memory_space<vmem>>, vector<3x16384x32xf32>
    %reshape3A = vector.shape_cast %get3A_2 : vector<3x16384x32xf32> to vector<3x8x2048x32xf32>
    %reduce_sum3A = arith.constant dense<0.000000e+00> : vector<3x8x32xf32>
    %reduce_sum3A_3 = vector.multi_reduction <add>, %reshape3A, %reduce_sum3A [2] : vector<3x8x2048x32xf32> to vector<3x8x32xf32>
    %mul3A = arith.constant 4.8828125E-4 : f32
    %mul3A_4 = vector.broadcast %mul3A : f32 to vector<3x8x32xf32>
    %mul3A_5 = arith.mulf %reduce_sum3A_3, %mul3A_4 : vector<3x8x32xf32>
    %get3A_6 = arith.constant 0 : index
    %get3A_7 = arith.constant 0 : index
    %get3A_8 = vector.load %arg1[%get3A_6, %get3A_7] : memref<3x32xf32, #tpu.memory_space<vmem>>, vector<3x32xf32>
    %broadcast_in_dim3A = vector.shape_cast %get3A_8 : vector<3x32xf32> to vector<3x1x32xf32>
    %sub3A = vector.broadcast %broadcast_in_dim3A : vector<3x1x32xf32> to vector<3x8x32xf32>
    %sub3A_9 = arith.subf %mul3A_5, %sub3A : vector<3x8x32xf32>
    %mul3A_10 = arith.mulf %sub3A_9, %sub3A_9 : vector<3x8x32xf32>
    %reduce_sum3A_11 = arith.constant dense<0.000000e+00> : vector<8x32xf32>
    %reduce_sum3A_12 = vector.multi_reduction <add>, %mul3A_10, %reduce_sum3A_11 [0] : vector<3x8x32xf32> to vector<8x32xf32>
    %add3A = arith.constant 9.99999993E-9 : f32
    %add3A_13 = vector.broadcast %add3A : f32 to vector<8x32xf32>
    %add3A_14 = arith.addf %reduce_sum3A_12, %add3A_13 : vector<8x32xf32>
    %sqrt3A = math.sqrt %add3A_14 : vector<8x32xf32>
    %get3A_15 = arith.constant 0 : index
    %get3A_16 = arith.constant 0 : index
    %get3A_17 = vector.load %arg2[%get3A_15, %get3A_16] : memref<32x40xf32, #tpu.memory_space<vmem>>, vector<32x40xf32>
    %dot_general3A = arith.constant dense<0.000000e+00> : vector<8x40xf32>
    %dot_general3A_18 = tpu.matmul %sqrt3A, %get3A_17, %dot_general3A {dimension_numbers = #tpu.dot_dimension_numbers<[1], [0], [0], [1], [0, 0, 1, 1], [], []>, transpose_lhs_hint = false} : vector<8x32xf32>, vector<32x40xf32>, vector<8x40xf32> -> vector<8x40xf32>
    %swap3A = arith.constant 0 : index
    %swap3A_19 = arith.constant 0 : index
    %swap3A_20 = vector.load %arg3[%swap3A, %swap3A_19] : memref<8x40xf32, #tpu.memory_space<vmem>>, vector<8x40xf32>
    tpu.vector_store %arg3[%swap3A, %swap3A_19], %dot_general3A_18 {strides = array<i32>} : memref<8x40xf32, #tpu.memory_space<vmem>>, vector<8x40xf32>,
    return
  }
}

</mosaic_0001>

<sc_bundles>
// kernel: kernel.10.cloned.1.call-start
scs
__scs_entry_jumppad:
0x0: {  	(pc) =	sbr.rel $0x88, $3  }
0x1: {  	(tag) =	ssettag $0x0;
	lr =	simm.s32 $0x1  }
0x2: {  	[smem:$0x3F9B] =	sst lr;
	_ =	strace $0xD0000000  }
0x3: {  	_ = 	snop  }
0x4: {  	_ = 	snop  }
0x5: {  	_ = 	snop  }
0x6: {  	_ = 	snop  }
0x7: {  	_ = 	snop  }
__scs_overlays_trampoline_lowered:
0x8: {  	[smem:$0x3FAA] =	sst s0  }
0x9: {  	[smem:$0x3FAB] =	sst s1  }
0xa: {  	[smem:$0x3FAC] =	sst s2  }
0xb: {  	[smem:$0x3FAD] =	sst s3  }
0xc: {  	[smem:$0x3FAE] =	sst s4  }
0xd: {  	[smem:$0x3FAF] =	sst s5  }
0xe: {  	[smem:$0x3FB0] =	sst s6  }
0xf: {  	[smem:$0x3FB1] =	sst s7  }
0x10: {  	[smem:$0x3FB2] =	sst s8  }
0x11: {  	[smem:$0x3FB3] =	sst s9;
	s0 =	simm.s32 @!p0 $0x0  }
0x12: {  	s1 =	sld [smem:$0x3F99];
	s0 =	simm.s32 @p0 $0x1  }
0x13: {  	[smem:$0x3FB4] =	sst s0;
	s0 =	simm.s32 @!p1 $0x0  }
0x14: {  	s2 =	sld [smem:$0x3F98];
	s0 =	simm.s32 @p1 $0x1  }
0x15: {  	[smem:$0x3FB5] =	sst s0;
	s0 =	simm.s32 @!p2 $0x0  }
0x16: {  	s3 =	sld [smem:$0x3FDB];
	s0 =	simm.s32 @p2 $0x1  }
0x17: {  	s4 =	simm.s32 $0x1BF5;
	[smem:$0x3FB7] =	sst s0  }
0x18: {  	s0 =	sld [smem:$0x3F9A];
	_ =	swait.ge [sflag:s4], $0x0  }
0x19: {  	s7 =	sld [smem:$0x3F9B]  }
0x1a: {  	s8 =	sadd.s32 $0xFFFFE003, lr  }
0x1b: {  	s9 =	sadd.s32 $0xFFFFFEF7, lr;
	s5 =	simm.s32 $0xFFFFFFFF;
	p2 =	slt.u32 s8, $0xFFFFF086  }
0x1c: {  	p1 =	slt.u32 s9, $0xF7A;
	s5 =	simm.s32 @!p2 $0x0  }
0x1d: {  	s5 =	simm.s32 @p1 $0x1;
	p0 =	seq.s32 s7, s2  }
0x1e: {  	s7 =	smul.u32 @!p0 $0xF7A, s2;
	p2 =	seq.s32 @!p0 s5, $0x0  }
0x1f: {  	s9 =	smul.u32 $0xF7A, s1;
	s8 =	simm.s32 @!p0 $0x1BF5;
	p2 =	por !p2, p0  }
0x20: {  	[sflag:s8] =	ssyncset.s32 @!p0 $0xFFFFF086;
	s6 =	sadd.s32 @!p0 s3, s7;
	s7 =	simm.s32 @!p0 $0x108  }
0x21: {  	s3 =	sadd.s32 s3, s9;
	s6 =	sadd.s32 @!p0 $0x88, s6;
	s7 =	simm.s32 @p2 $0x1082  }
0x22: {  	[simem:s7], [sflag:s8] =	dma.local @!p0 [hbm:s6], $0xF7A  }
0x23: {  	s9 =	sor.u32 $0xD0000000, s2;
	s6 =	simm.s32 $0x108;
	_ =	swait.ge @!p0 [sflag:s8], $0x0  }
0x24: {  	s3 =	sadd.s32 $0x88, s3;
	s6 =	simm.s32 @!p1 $0x1082;
	[sflag:s4] =	ssyncset.s32 $0xFFFFF086  }
0x25: {  	[simem:s6], [sflag:s4] =	dma.local [hbm:s3], $0xF7A  }
0x26: {  	[smem:$0x3F9B] =	sst s1;
	(tag) =	ssettag s2;
	_ =	strace s9  }
0x27: {  	s1 =	sld [smem:$0x3FAB]  }
0x28: {  	s2 =	sld [smem:$0x3FAC]  }
0x29: {  	s4 =	sld [smem:$0x3FAE]  }
0x2a: {  	p0 =	seq.s32 s5, $0x0;
	s5 =	sld [smem:$0x3FAF]  }
0x2b: {  	s6 =	sld [smem:$0x3FB0]  }
0x2c: {  	s7 =	sld [smem:$0x3FB1]  }
0x2d: {  	s3 =	simm.s32 $0x108;
	s8 =	sld [smem:$0x3FB2]  }
0x2e: {  	s3 =	simm.s32 @!p0 $0x1082;
	s9 =	sld [smem:$0x3FB3]  }
0x2f: {  	lr =	sadd.s32 s0, s3;
	s0 =	sld [smem:$0x3FAA]  }
0x30: {  	s3 =	sld [smem:$0x3FAD]  }
0x31: {  	[smem:$0x3FB6] =	sst s10  }
0x32: {  	s10 =	sld [smem:$0x3FB4];
	_ =	sdelay $0x3  }
0x33: {  	p0 =	seq.s32 s10, $0x1;
	s10 =	sld [smem:$0x3FB6];
	_ =	sdelay $0x3  }
0x34: {  	[smem:$0x3FB6] =	sst s10  }
0x35: {  	s10 =	sld [smem:$0x3FB5];
	_ =	sdelay $0x3  }
0x36: {  	p1 =	seq.s32 s10, $0x1;
	s10 =	sld [smem:$0x3FB6];
	_ =	sdelay $0x3  }
0x37: {  	[smem:$0x3FB6] =	sst s10  }
0x38: {  	s10 =	sld [smem:$0x3FB7]  }
0x39: {  	_ = 	snop;
	(pc) =	sbr.ind lr, $3  }
0x3a: {  	_ = 	snop  }
0x3b: {  	_ = 	snop  }
0x3c: {  	p2 =	seq.s32 s10, $0x1;
	s10 =	sld [smem:$0x3FB6]  }
0x3d: {  	_ =	shalt  }
0x3e: {  	_ =	shalt  }
0x3f: {  	_ =	shalt  }
0x40: {  	_ =	shalt  }
0x41: {  	_ =	shalt  }
0x42: {  	_ =	shalt  }
0x43: {  	_ =	shalt  }
0x44: {  	_ =	shalt  }
0x45: {  	_ =	shalt  }
0x46: {  	_ =	shalt  }
0x47: {  	_ =	shalt  }
0x48: {  	_ =	shalt  }
0x49: {  	_ =	shalt  }
0x4a: {  	_ =	shalt  }
0x4b: {  	_ =	shalt  }
0x4c: {  	_ =	shalt  }
0x4d: {  	_ =	shalt  }
0x4e: {  	_ =	shalt  }
0x4f: {  	_ =	shalt  }
0x50: {  	_ =	shalt  }
0x51: {  	_ =	shalt  }
0x52: {  	_ =	shalt  }
0x53: {  	_ =	shalt  }
0x54: {  	_ =	shalt  }
0x55: {  	_ =	shalt  }
0x56: {  	_ =	shalt  }
0x57: {  	_ =	shalt  }
0x58: {  	_ =	shalt  }
0x59: {  	_ =	shalt  }
0x5a: {  	_ =	shalt  }
0x5b: {  	_ =	shalt  }
0x5c: {  	_ =	shalt  }
0x5d: {  	_ =	shalt  }
0x5e: {  	_ =	shalt  }
0x5f: {  	_ =	shalt  }
0x60: {  	_ =	shalt  }
0x61: {  	_ =	shalt  }
0x62: {  	_ =	shalt  }
0x63: {  	_ =	shalt  }
0x64: {  	_ =	shalt  }
0x65: {  	_ =	shalt  }
0x66: {  	_ =	shalt  }
0x67: {  	_ =	shalt  }
0x68: {  	_ =	shalt  }
0x69: {  	_ =	shalt  }
0x6a: {  	_ =	shalt  }
0x6b: {  	_ =	shalt  }
0x6c: {  	_ =	shalt  }
0x6d: {  	_ =	shalt  }
0x6e: {  	_ =	shalt  }
0x6f: {  	_ =	shalt  }
0x70: {  	_ =	shalt  }
0x71: {  	_ =	shalt  }
0x72: {  	_ =	shalt  }
0x73: {  	_ =	shalt  }
0x74: {  	_ =	shalt  }
0x75: {  	_ =	shalt  }
0x76: {  	_ =	shalt  }
0x77: {  	_ =	shalt  }
0x78: {  	_ =	shalt  }
0x79: {  	_ =	shalt  }
0x7a: {  	_ =	shalt  }
0x7b: {  	_ =	shalt  }
0x7c: {  	_ =	shalt  }
0x7d: {  	_ =	shalt  }
0x7e: {  	_ =	shalt  }
0x7f: {  	_ =	shalt  }
0x80: {  	_ =	shalt  }
0x81: {  	_ =	shalt  }
0x82: {  	_ =	shalt  }
0x83: {  	_ =	shalt  }
0x84: {  	_ =	shalt  }
0x85: {  	_ =	shalt  }
0x86: {  	_ =	shalt  }
0x87: {  	_ =	shalt  }
.Lfunc_end0:
.L_simem_size_0:
called_computation_lowered:
.L_overlay_start_0:
0x88: {  	s2 =	sld [smem:$0x3FD9]  }
0x89: {  	s3 =	sld [smem:$0x3FFE];
	_ =	sdelay $0x1  }
0x8a: {  	s1 =	srdreg.scid  }
0x8b: {  	s0 =	sand.u32 $0x1, s1  }
0x8c: {  	s16 =	sshll.u32 s0, $0xA;
	s2 =	sadd.s32 s3, s2  }
0x8d: {  	s2 =	sadd.s32 s2, s16  }
0x8e: {  	[smem:$0x3FC2] =	sst s2  }
0x8f: {  	_ = 	snop  }
0x90: {  	(tm) =	ssettm $0x1  }
0x91: {  	s17 =	sld [smem:$0x3FFB];
	_ =	sdelay $0x3  }
0x92: {  	_ =	strace s17  }
0x93: {  	s2 =	sld [smem:$0x3FFC];
	_ =	sdelay $0x3  }
0x94: {  	_ =	strace s2  }
0x95: {  	s2 =	sld [smem:$0x3FFD];
	_ =	sdelay $0x3  }
0x96: {  	_ =	strace s2  }
0x97: {  	_ =	strace $0x8FFFFFFF  }
0x98: {  	s18 =	sld [smem:$0x3FDB];
	_ =	sdelay $0x1  }
0x99: {  	s19 =	simm.s32 $_scs_section_size  }
0x9a: {  	s4 =	simm.s32 $_size__tile_overlayer_lowered;
	s5 =	simm.s32 $_tile_overlayer_lowered  }
0x9b: {  	s22 =	simm.s32 $0x1BFF;
	s21 =	sshll.u32 s5, $0x1;
	s2 =	sadd.s32 s19, s18  }
0x9c: {  	s6 =	simm.s32 $0x0;
	s20 =	sshll.u32 s4, $0x1;
	s4 =	sadd.s32 s21, s2  }
0x9d: {  	[timem:s6], [sflag:s22] =	dma.local [hbm:s4], s20  }
0x9e: {  	_ =	swait.ge [sflag:s22], s20  }
0x9f: {  	s3 =	ssub.s32 $0x0, s20;
	[sflag:s22] =	ssyncset.done $0x0  }
0xa0: {  	[sflag:s22] =	ssyncadd.s32 s3;
	_ =	sdelay $0x1  }
0xa1: {  	s23 =	simm.s32 $0x1B8B  }
0xa2: {  	_ =	swait.ge [sflag:s23], $0x1  }
0xa3: {  	[sflag:s23] =	ssyncset.done $0x0  }
0xa4: {  	s25 =	simm.s32 $0x1B8E;
	s24 =	sld [smem:$0x3FFE];
	[sflag:s23] =	ssyncadd.s32 $0xFFFFFFFF  }
0xa5: {  	s26 =	simm.s32 $execute0_lowered;
	[smem:$0x3FD2] =	sst s25  }
0xa6: {  	s4 =	sshll.u32 s26, $0x1;
	_ =	strace $0x80000046;
	[dreg:$0x1] =	wrdreg $0xFFFFFFFF  }
0xa7: {  	s28 =	simm.s32 $_size_execute0_lowered;
	s2 =	sadd.s32 s2, s4;
	[dreg:$0x0] =	wrdreg $0x0  }
0xa8: {  	s4 =	sshll.u32 s28, $0x1;
	[dreg:$0x2] =	wrdreg s2  }
0xa9: {  	[dreg:$0x3] =	wrdreg s4  }
0xaa: {  	[dreg:$0x4] =	wrdreg $0xC0  }
0xab: {  	_ =	task [dreg:s6], $0x5FFFF  }
0xac: {  	[dreg:$0x1] =	wrdreg $0xFFFFFFFF  }
0xad: {  	[dreg:$0x0] =	wrdreg $0x60  }
0xae: {  	[dreg:$0x2] =	wrdreg s24  }
0xaf: {  	[dreg:$0x3] =	wrdreg $0x9  }
0xb0: {  	_ =	task.clear_ibuf [dreg:s6], $0x4FFFF;
	_ =	strace $0x90000046  }
0xb1: {  	s29 =	simm.s32 $0x9;
	_ =	strace $0x80000048  }
0xb2: {  	_ =	swait.ge [sflag:s29], $0x1  }
0xb3: {  	[sflag:s29] =	ssyncadd.s32 $0xFFFFFFFF  }
0xb4: {  	_ =	strace $0x90000048  }
0xb5: {  	_ =	sfence  }
0xb6: {  	s30 =	sld [smem:$0x0];
	_ =	sdelay $0x2  }
0xb7: {  	s31 =	sshll.u32 s1, $0xD;
	s1 =	sshrl.u32 s1, $0x2  }
0xb8: {  	s3 =	sand.u32 $0x4000, s31;
	s1 =	sadd.s32 s1, s30  }
0xb9: {  	s0 =	sor.u32 s3, s0;
	s1 =	sshll.u32 s1, $0x11  }
0xba: {  	s0 =	sor.u32 s1, s0  }
0xbb: {  	s0 =	sadd.s32 $0x8F2B, s0  }
0xbc: {  	[sflag:s0] =	ssyncadd.remote.s32 $0x1  }
0xbd: {  	_ =	sfence.sel $0xFFFF  }
0xbe: {  	[dreg:$0x0] =	wrdreg $0xFFFFFFFF;
	(pc) =	sbr.abs _section_cstart, $3  }
0xbf: {  	[dreg:$0x1] =	wrdreg $0xFFFFFFFF  }
0xc0: {  	_ =	task.clear_ibuf [dreg:s6], $0x2FFFF;
	_ =	strace $0x9FFFFFFF  }
0xc1: {  	(tm) =	ssettm $0x7FFFFFFF  }
tec
execute0_lowered:
.L_overlay_start_1:
0x0: {  	(tag) =	ssettag $0x1  }
0x1: {  	s4 =	rddreg [dreg:$0x0]  }
0x2: {  	s0 =	rddreg [dreg:$0x1];
	s3 =	srdreg.scid  }
0x3: {  	s1 =	stileid.u32;
	s2 =	simm.s32 $0x0;
	s10 =	simm.s32 $0xC00  }
0x4: {  	s11 =	simm.s32 $0x100;
	s12 =	simm.s32 $0x1400;
	s13 =	simm.s32 $0x180  }
0x5: {  	s14 =	simm.s32 $0x1C00;
	s15 =	simm.s32 $0x200;
	s16 =	simm.s32 $0x2400  }
0x6: {  	s17 =	simm.s32 $0x280;
	s18 =	simm.s32 $0x2C00;
	s19 =	simm.s32 $0x300  }
0x7: {  	s20 =	simm.s32 $0x3400;
	s21 =	simm.s32 $0x380;
	s22 =	simm.s32 $0x3C00  }
0x8: {  	s23 =	simm.s32 $0x1;
	s24 =	simm.s32 $0x0;
	s6 =	smul.u32 $0xF000, s1  }
0x9: {  	s5 =	sand.u32 $0x1, s3;
	[smem:$0x7FF] =	sst s2;
	s8 =	smul.u32 $0x1E000, s1  }
0xa: {  	s3 =	sadd.s32 $0xC1800, s4;
	s7 =	smul.u32 $0x7800, s5;
	s30 =	ssub.s32 $0x2, s5  }
0xb: {  	_ =	strace $0x80000047;
	s5 =	smul.u32 $0xF000, s5;
	s9 =	sshrl.u32 s30, $0x1  }
0xc: {  	s8 =	sadd.s32 s8, s4;
	s6 =	sadd.s32 s7, s6;
	s31 =	ssub.s32 s30, s9  }
0xd: {  	s5 =	sadd.s32 s5, s8;
	s7 =	simm.s32 $0x2;
	s6 =	sshrl.u32 s6, $0x3  }
0xe: {  	s8 =	simm.s32 $0x80;
	s9 =	simm.s32 $0x400;
	s6 =	sadd.s32 s6, s4  }
0xf: {  	s5 =	sadd.s32 $0xD9800, s5;
	s4 =	smax.u32 s31, $0x1;
	s6 =	sadd.s32 $0x1800, s6  }
.LBB2_1:
0x10: {  	s25 =	sadd.s32 $0x0, s6  }
0x11: {  	[tilespmem:s2], [sflag:$0x2] =	stream.linear.gather [hbm4b:s25+s2], $0x400, $0x38;
	[tilespmem:$0x4400] =	vst v63  }
0x12: {  	_ =	swait.ge [sflag:s7], $0x400  }
0x13: {  	[sflag:s7] =	ssyncset.done $0x0  }
0x14: {  	[sflag:s7] =	ssyncadd.s32 $0xFFFFFC00  }
0x15: {  	[tilespmem:s9], [sflag:$0x1] =	stream.indirect.gather [hbm4b:s3+s8], $0x10, s2, s8, $0xb8;
	[tilespmem:$0x4400] =	vst v63  }
0x16: {  	_ = 	snop  }
0x17: {  	[tilespmem:s10], [sflag:$0x1] =	stream.indirect.gather [hbm4b:s3+s8], $0x10, s8, s8, $0xb8;
	[tilespmem:$0x4400] =	vst v63  }
0x18: {  	_ = 	snop  }
0x19: {  	[tilespmem:s12], [sflag:$0x1] =	stream.indirect.gather [hbm4b:s3+s8], $0x10, s11, s8, $0xb8;
	[tilespmem:$0x4400] =	vst v63  }
0x1a: {  	_ = 	snop  }
0x1b: {  	[tilespmem:s14], [sflag:$0x1] =	stream.indirect.gather [hbm4b:s3+s8], $0x10, s13, s8, $0xb8;
	[tilespmem:$0x4400] =	vst v63  }
0x1c: {  	_ = 	snop  }
0x1d: {  	[tilespmem:s16], [sflag:$0x1] =	stream.indirect.gather [hbm4b:s3+s8], $0x10, s15, s8, $0xb8;
	[tilespmem:$0x4400] =	vst v63  }
0x1e: {  	_ = 	snop  }
0x1f: {  	[tilespmem:s18], [sflag:$0x1] =	stream.indirect.gather [hbm4b:s3+s8], $0x10, s17, s8, $0xb8;
	[tilespmem:$0x4400] =	vst v63  }
0x20: {  	_ = 	snop  }
0x21: {  	[tilespmem:s20], [sflag:$0x1] =	stream.indirect.gather [hbm4b:s3+s8], $0x10, s19, s8, $0xb8;
	[tilespmem:$0x4400] =	vst v63  }
0x22: {  	_ = 	snop  }
0x23: {  	[tilespmem:s22], [sflag:$0x1] =	stream.indirect.gather [hbm4b:s3+s8], $0x10, s21, s8, $0xb8;
	[tilespmem:$0x4400] =	vst v63  }
0x24: {  	_ =	swait.ge [sflag:s23], $0x800  }
0x25: {  	[sflag:s23] =	ssyncset.done $0x0  }
0x26: {  	[sflag:s23] =	ssyncadd.s32 $0xFFFFF800  }
0x27: {  	_ =	swait.ge [sflag:s23], $0x800  }
0x28: {  	[sflag:s23] =	ssyncset.done $0x0  }
0x29: {  	[sflag:s23] =	ssyncadd.s32 $0xFFFFF800  }
0x2a: {  	_ =	swait.ge [sflag:s23], $0x800  }
0x2b: {  	[sflag:s23] =	ssyncset.done $0x0  }
0x2c: {  	[sflag:s23] =	ssyncadd.s32 $0xFFFFF800  }
0x2d: {  	_ =	swait.ge [sflag:s23], $0x800  }
0x2e: {  	[sflag:s23] =	ssyncset.done $0x0  }
0x2f: {  	[sflag:s23] =	ssyncadd.s32 $0xFFFFF800  }
0x30: {  	_ =	swait.ge [sflag:s23], $0x800  }
0x31: {  	[sflag:s23] =	ssyncset.done $0x0  }
0x32: {  	[sflag:s23] =	ssyncadd.s32 $0xFFFFF800  }
0x33: {  	_ =	swait.ge [sflag:s23], $0x800  }
0x34: {  	[sflag:s23] =	ssyncset.done $0x0  }
0x35: {  	[sflag:s23] =	ssyncadd.s32 $0xFFFFF800  }
0x36: {  	_ =	swait.ge [sflag:s23], $0x800  }
0x37: {  	[sflag:s23] =	ssyncset.done $0x0  }
0x38: {  	[sflag:s23] =	ssyncadd.s32 $0xFFFFF800  }
0x39: {  	_ =	swait.ge [sflag:s23], $0x800  }
0x3a: {  	[sflag:s23] =	ssyncset.done $0x0  }
0x3b: {  	[sflag:s23] =	ssyncadd.s32 $0xFFFFF800  }
0x3c: {  	[hbm4b:s5+s2] =	stream.linear.scatter [tilespmem:s9], [sflag:$0x2], $0x4000, $0x38;
	[tilespmem:$0x4400] =	vst v63  }
0x3d: {  	s26 =	simm.s32 $0x80;
	_ =	swait.ge [sflag:s7], $0x4000  }
0x3e: {  	s29 =	simm.s32 $0x100;
	s25 =	sadd.s32 $0x800, s5;
	[sflag:s7] =	ssyncset.done $0x0  }
.LBB2_2:
0x3f: {  	s30 =	sadd.s32 s26, s6  }
0x40: {  	[sflag:s7] =	ssyncadd.s32 $0xFFFFC000;
	s26 =	smov.u32 s29;
	s28 =	sadd.s32 $0x80, s29  }
0x41: {  	[tilespmem:s2], [sflag:$0x2] =	stream.linear.gather [hbm4b:s30+s2], $0x400, $0x38;
	[tilespmem:$0x4400] =	vst v63  }
0x42: {  	p0 =	sne.s32 s29, $0xE80;
	_ =	swait.ge [sflag:s7], $0x400  }
0x43: {  	[sflag:s7] =	ssyncset.done $0x0  }
0x44: {  	[sflag:s7] =	ssyncadd.s32 $0xFFFFFC00  }
0x45: {  	[tilespmem:s9], [sflag:$0x1] =	stream.indirect.gather [hbm4b:s3+s8], $0x10, s2, s8, $0xb8;
	[tilespmem:$0x4400] =	vst v63  }
0x46: {  	_ = 	snop  }
0x47: {  	[tilespmem:s10], [sflag:$0x1] =	stream.indirect.gather [hbm4b:s3+s8], $0x10, s8, s8, $0xb8;
	[tilespmem:$0x4400] =	vst v63  }
0x48: {  	_ = 	snop  }
0x49: {  	[tilespmem:s12], [sflag:$0x1] =	stream.indirect.gather [hbm4b:s3+s8], $0x10, s11, s8, $0xb8;
	[tilespmem:$0x4400] =	vst v63  }
0x4a: {  	_ = 	snop  }
0x4b: {  	[tilespmem:s14], [sflag:$0x1] =	stream.indirect.gather [hbm4b:s3+s8], $0x10, s13, s8, $0xb8;
	[tilespmem:$0x4400] =	vst v63  }
0x4c: {  	_ = 	snop  }
0x4d: {  	[tilespmem:s16], [sflag:$0x1] =	stream.indirect.gather [hbm4b:s3+s8], $0x10, s15, s8, $0xb8;
	[tilespmem:$0x4400] =	vst v63  }
0x4e: {  	_ = 	snop  }
0x4f: {  	[tilespmem:s18], [sflag:$0x1] =	stream.indirect.gather [hbm4b:s3+s8], $0x10, s17, s8, $0xb8;
	[tilespmem:$0x4400] =	vst v63  }
0x50: {  	_ = 	snop  }
0x51: {  	[tilespmem:s20], [sflag:$0x1] =	stream.indirect.gather [hbm4b:s3+s8], $0x10, s19, s8, $0xb8;
	[tilespmem:$0x4400] =	vst v63  }
0x52: {  	_ = 	snop  }
0x53: {  	[tilespmem:s22], [sflag:$0x1] =	stream.indirect.gather [hbm4b:s3+s8], $0x10, s21, s8, $0xb8;
	[tilespmem:$0x4400] =	vst v63  }
0x54: {  	_ =	swait.ge [sflag:s23], $0x800  }
0x55: {  	[sflag:s23] =	ssyncset.done $0x0  }
0x56: {  	[sflag:s23] =	ssyncadd.s32 $0xFFFFF800  }
0x57: {  	_ =	swait.ge [sflag:s23], $0x800  }
0x58: {  	[sflag:s23] =	ssyncset.done $0x0  }
0x59: {  	[sflag:s23] =	ssyncadd.s32 $0xFFFFF800  }
0x5a: {  	_ =	swait.ge [sflag:s23], $0x800  }
0x5b: {  	[sflag:s23] =	ssyncset.done $0x0  }
0x5c: {  	[sflag:s23] =	ssyncadd.s32 $0xFFFFF800  }
0x5d: {  	_ =	swait.ge [sflag:s23], $0x800  }
0x5e: {  	[sflag:s23] =	ssyncset.done $0x0  }
0x5f: {  	[sflag:s23] =	ssyncadd.s32 $0xFFFFF800  }
0x60: {  	_ =	swait.ge [sflag:s23], $0x800  }
0x61: {  	[sflag:s23] =	ssyncset.done $0x0  }
0x62: {  	[sflag:s23] =	ssyncadd.s32 $0xFFFFF800  }
0x63: {  	_ =	swait.ge [sflag:s23], $0x800  }
0x64: {  	[sflag:s23] =	ssyncset.done $0x0  }
0x65: {  	[sflag:s23] =	ssyncadd.s32 $0xFFFFF800  }
0x66: {  	_ =	swait.ge [sflag:s23], $0x800  }
0x67: {  	[sflag:s23] =	ssyncset.done $0x0  }
0x68: {  	[sflag:s23] =	ssyncadd.s32 $0xFFFFF800  }
0x69: {  	_ =	swait.ge [sflag:s23], $0x800  }
.Ltmp0:
0x6a: {  	[sflag:s23] =	ssyncset.done $0x0;
	(pc) =	sbr.rel @p0 .LBB2_2-.Ltmp0, $4  }
0x6b: {  	[sflag:s23] =	ssyncadd.s32 $0xFFFFF800  }
0x6c: {  	[hbm4b:s25+s2] =	stream.linear.scatter [tilespmem:s9], [sflag:$0x2], $0x4000, $0x38;
	[tilespmem:$0x4400] =	vst v63  }
0x6d: {  	_ =	swait.ge [sflag:s7], $0x4000  }
0x6e: {  	s29 =	smov.u32 s28;
	s25 =	sadd.s32 $0x800, s25;
	[sflag:s7] =	ssyncset.done $0x0  }
0x6f: {  	s26 =	sadd.s32 s26, s6;
	[sflag:s7] =	ssyncadd.s32 $0xFFFFC000  }
0x70: {  	[tilespmem:s2], [sflag:$0x2] =	stream.linear.gather [hbm4b:s26+s2], $0x400, $0x38;
	[tilespmem:$0x4400] =	vst v63  }
0x71: {  	_ =	swait.ge [sflag:s7], $0x400  }
0x72: {  	[sflag:s7] =	ssyncset.done $0x0  }
0x73: {  	[sflag:s7] =	ssyncadd.s32 $0xFFFFFC00  }
0x74: {  	[tilespmem:s9], [sflag:$0x1] =	stream.indirect.gather [hbm4b:s3+s8], $0x10, s2, s8, $0xb8;
	[tilespmem:$0x4400] =	vst v63  }
0x75: {  	_ = 	snop  }
0x76: {  	[tilespmem:s10], [sflag:$0x1] =	stream.indirect.gather [hbm4b:s3+s8], $0x10, s8, s8, $0xb8;
	[tilespmem:$0x4400] =	vst v63  }
0x77: {  	_ = 	snop  }
0x78: {  	[tilespmem:s12], [sflag:$0x1] =	stream.indirect.gather [hbm4b:s3+s8], $0x10, s11, s8, $0xb8;
	[tilespmem:$0x4400] =	vst v63  }
0x79: {  	_ = 	snop  }
0x7a: {  	[tilespmem:s14], [sflag:$0x1] =	stream.indirect.gather [hbm4b:s3+s8], $0x10, s13, s8, $0xb8;
	[tilespmem:$0x4400] =	vst v63  }
0x7b: {  	_ = 	snop  }
0x7c: {  	[tilespmem:s16], [sflag:$0x1] =	stream.indirect.gather [hbm4b:s3+s8], $0x10, s15, s8, $0xb8;
	[tilespmem:$0x4400] =	vst v63  }
0x7d: {  	_ = 	snop  }
0x7e: {  	[tilespmem:s18], [sflag:$0x1] =	stream.indirect.gather [hbm4b:s3+s8], $0x10, s17, s8, $0xb8;
	[tilespmem:$0x4400] =	vst v63  }
0x7f: {  	_ = 	snop  }
0x80: {  	[tilespmem:s20], [sflag:$0x1] =	stream.indirect.gather [hbm4b:s3+s8], $0x10, s19, s8, $0xb8;
	[tilespmem:$0x4400] =	vst v63  }
0x81: {  	_ = 	snop  }
0x82: {  	[tilespmem:s22], [sflag:$0x1] =	stream.indirect.gather [hbm4b:s3+s8], $0x10, s21, s8, $0xb8;
	[tilespmem:$0x4400] =	vst v63  }
0x83: {  	_ =	swait.ge [sflag:s23], $0x800  }
0x84: {  	[sflag:s23] =	ssyncset.done $0x0  }
0x85: {  	[sflag:s23] =	ssyncadd.s32 $0xFFFFF800  }
0x86: {  	_ =	swait.ge [sflag:s23], $0x800  }
0x87: {  	[sflag:s23] =	ssyncset.done $0x0  }
0x88: {  	[sflag:s23] =	ssyncadd.s32 $0xFFFFF800  }
0x89: {  	_ =	swait.ge [sflag:s23], $0x800  }
0x8a: {  	[sflag:s23] =	ssyncset.done $0x0  }
0x8b: {  	[sflag:s23] =	ssyncadd.s32 $0xFFFFF800  }
0x8c: {  	_ =	swait.ge [sflag:s23], $0x800  }
0x8d: {  	[sflag:s23] =	ssyncset.done $0x0  }
0x8e: {  	[sflag:s23] =	ssyncadd.s32 $0xFFFFF800  }
0x8f: {  	_ =	swait.ge [sflag:s23], $0x800  }
0x90: {  	[sflag:s23] =	ssyncset.done $0x0  }
0x91: {  	[sflag:s23] =	ssyncadd.s32 $0xFFFFF800  }
0x92: {  	_ =	swait.ge [sflag:s23], $0x800  }
0x93: {  	[sflag:s23] =	ssyncset.done $0x0  }
0x94: {  	[sflag:s23] =	ssyncadd.s32 $0xFFFFF800  }
0x95: {  	_ =	swait.ge [sflag:s23], $0x800  }
0x96: {  	[sflag:s23] =	ssyncset.done $0x0  }
0x97: {  	[sflag:s23] =	ssyncadd.s32 $0xFFFFF800  }
0x98: {  	s24 =	sadd.s32 $0x1, s24;
	_ =	swait.ge [sflag:s23], $0x800  }
0x99: {  	p0 =	sne.s32 s24, s4;
	[sflag:s23] =	ssyncset.done $0x0  }
.Ltmp1:
0x9a: {  	[sflag:s23] =	ssyncadd.s32 $0xFFFFF800;
	(pc) =	sbr.rel @p0 .LBB2_1-.Ltmp1, $4  }
0x9b: {  	[hbm4b:s25+s2] =	stream.linear.scatter [tilespmem:s9], [sflag:$0x2], $0x4000, $0x38;
	[tilespmem:$0x4400] =	vst v63  }
0x9c: {  	_ =	swait.ge [sflag:s7], $0x4000  }
0x9d: {  	[sflag:s7] =	ssyncset.done $0x0  }
0x9e: {  	[sflag:s7] =	ssyncadd.s32 $0xFFFFC000  }
0x9f: {  	_ =	sfence.sel $0x180000  }
0xa0: {  	[bflag:$0x0] =	sbarrier.arrive $0xFFFF  }
0xa1: {  	p0 =	sne.s32 s1, $0x0;
	_ =	strace $0x90000047  }
0xa2: {  	s0 =	sadd.s32 @!p0 $0x100000, s0;
	[bflag:$0x2] =	sbarrier.arrive $0xFFFF  }
0xa3: {  	[sflag:s0] =	ssyncadd.tile.s32 @!p0 $0x1;
	_ =	shalt  }
.Lfunc_end2:
_tile_overlayer_lowered:
.L_overlay_start_2:
0xa4: {  	(tag) =	ssettag $0x2  }
0xa5: {  	s0 =	rddreg [dreg:$0x0];
	s2 =	stileid.u32  }
0xa6: {  	s1 =	rddreg [dreg:$0x1];
	p0 =	sne.s32 s2, $0x0  }
0xa7: {  	s3 =	rddreg [dreg:$0x2];
	[bflag:$0x3] =	sbarrier.arrive $0xFFFF;
	s2 =	simm.s32 @!p0 $0x1C02  }
0xa8: {  	[timem:s3], [sflag:s2] =	dma.local @!p0 [hbm:s0], s1  }
0xa9: {  	s0 =	simm.s32 @!p0 $0x2  }
0xaa: {  	_ =	swait.ge @!p0 [sflag:s0], s1  }
0xab: {  	s1 =	ssub.s32 @!p0 $0x0, s1;
	[sflag:s0] =	ssyncset.done @!p0 $0x0  }
0xac: {  	[sflag:s0] =	ssyncadd.s32 @!p0 s1  }
0xad: {  	[bflag:$0x3] =	sbarrier.arrive $0xFFFF  }
0xae: {  	_ =	shalt  }

// kernel: kernel.13.cloned.1.call-start
scs
__scs_entry_jumppad:
0x0: {  	(pc) =	sbr.rel $0x88, $3  }
0x1: {  	(tag) =	ssettag $0x0;
	lr =	simm.s32 $0x1  }
0x2: {  	[smem:$0x3F9B] =	sst lr;
	_ =	strace $0xD0000000  }
0x3: {  	_ = 	snop  }
0x4: {  	_ = 	snop  }
0x5: {  	_ = 	snop  }
0x6: {  	_ = 	snop  }
0x7: {  	_ = 	snop  }
__scs_overlays_trampoline_lowered:
0x8: {  	[smem:$0x3FAA] =	sst s0  }
0x9: {  	[smem:$0x3FAB] =	sst s1  }
0xa: {  	[smem:$0x3FAC] =	sst s2  }
0xb: {  	[smem:$0x3FAD] =	sst s3  }
0xc: {  	[smem:$0x3FAE] =	sst s4  }
0xd: {  	[smem:$0x3FAF] =	sst s5  }
0xe: {  	[smem:$0x3FB0] =	sst s6  }
0xf: {  	[smem:$0x3FB1] =	sst s7  }
0x10: {  	[smem:$0x3FB2] =	sst s8  }
0x11: {  	[smem:$0x3FB3] =	sst s9;
	s0 =	simm.s32 @!p0 $0x0  }
0x12: {  	s1 =	sld [smem:$0x3F99];
	s0 =	simm.s32 @p0 $0x1  }
0x13: {  	[smem:$0x3FB4] =	sst s0;
	s0 =	simm.s32 @!p1 $0x0  }
0x14: {  	s2 =	sld [smem:$0x3F98];
	s0 =	simm.s32 @p1 $0x1  }
0x15: {  	[smem:$0x3FB5] =	sst s0;
	s0 =	simm.s32 @!p2 $0x0  }
0x16: {  	s3 =	sld [smem:$0x3FDB];
	s0 =	simm.s32 @p2 $0x1  }
0x17: {  	s4 =	simm.s32 $0x1BF5;
	[smem:$0x3FB7] =	sst s0  }
0x18: {  	s0 =	sld [smem:$0x3F9A];
	_ =	swait.ge [sflag:s4], $0x0  }
0x19: {  	s7 =	sld [smem:$0x3F9B]  }
0x1a: {  	s8 =	sadd.s32 $0xFFFFE003, lr  }
0x1b: {  	s9 =	sadd.s32 $0xFFFFFEF7, lr;
	s5 =	simm.s32 $0xFFFFFFFF;
	p2 =	slt.u32 s8, $0xFFFFF086  }
0x1c: {  	p1 =	slt.u32 s9, $0xF7A;
	s5 =	simm.s32 @!p2 $0x0  }
0x1d: {  	s5 =	simm.s32 @p1 $0x1;
	p0 =	seq.s32 s7, s2  }
0x1e: {  	s7 =	smul.u32 @!p0 $0xF7A, s2;
	p2 =	seq.s32 @!p0 s5, $0x0  }
0x1f: {  	s9 =	smul.u32 $0xF7A, s1;
	s8 =	simm.s32 @!p0 $0x1BF5;
	p2 =	por !p2, p0  }
0x20: {  	[sflag:s8] =	ssyncset.s32 @!p0 $0xFFFFF086;
	s6 =	sadd.s32 @!p0 s3, s7;
	s7 =	simm.s32 @!p0 $0x108  }
0x21: {  	s3 =	sadd.s32 s3, s9;
	s6 =	sadd.s32 @!p0 $0x88, s6;
	s7 =	simm.s32 @p2 $0x1082  }
0x22: {  	[simem:s7], [sflag:s8] =	dma.local @!p0 [hbm:s6], $0xF7A  }
0x23: {  	s9 =	sor.u32 $0xD0000000, s2;
	s6 =	simm.s32 $0x108;
	_ =	swait.ge @!p0 [sflag:s8], $0x0  }
0x24: {  	s3 =	sadd.s32 $0x88, s3;
	s6 =	simm.s32 @!p1 $0x1082;
	[sflag:s4] =	ssyncset.s32 $0xFFFFF086  }
0x25: {  	[simem:s6], [sflag:s4] =	dma.local [hbm:s3], $0xF7A  }
0x26: {  	[smem:$0x3F9B] =	sst s1;
	(tag) =	ssettag s2;
	_ =	strace s9  }
0x27: {  	s1 =	sld [smem:$0x3FAB]  }
0x28: {  	s2 =	sld [smem:$0x3FAC]  }
0x29: {  	s4 =	sld [smem:$0x3FAE]  }
0x2a: {  	p0 =	seq.s32 s5, $0x0;
	s5 =	sld [smem:$0x3FAF]  }
0x2b: {  	s6 =	sld [smem:$0x3FB0]  }
0x2c: {  	s7 =	sld [smem:$0x3FB1]  }
0x2d: {  	s3 =	simm.s32 $0x108;
	s8 =	sld [smem:$0x3FB2]  }
0x2e: {  	s3 =	simm.s32 @!p0 $0x1082;
	s9 =	sld [smem:$0x3FB3]  }
0x2f: {  	lr =	sadd.s32 s0, s3;
	s0 =	sld [smem:$0x3FAA]  }
0x30: {  	s3 =	sld [smem:$0x3FAD]  }
0x31: {  	[smem:$0x3FB6] =	sst s10  }
0x32: {  	s10 =	sld [smem:$0x3FB4];
	_ =	sdelay $0x3  }
0x33: {  	p0 =	seq.s32 s10, $0x1;
	s10 =	sld [smem:$0x3FB6];
	_ =	sdelay $0x3  }
0x34: {  	[smem:$0x3FB6] =	sst s10  }
0x35: {  	s10 =	sld [smem:$0x3FB5];
	_ =	sdelay $0x3  }
0x36: {  	p1 =	seq.s32 s10, $0x1;
	s10 =	sld [smem:$0x3FB6];
	_ =	sdelay $0x3  }
0x37: {  	[smem:$0x3FB6] =	sst s10  }
0x38: {  	s10 =	sld [smem:$0x3FB7]  }
0x39: {  	_ = 	snop;
	(pc) =	sbr.ind lr, $3  }
0x3a: {  	_ = 	snop  }
0x3b: {  	_ = 	snop  }
0x3c: {  	p2 =	seq.s32 s10, $0x1;
	s10 =	sld [smem:$0x3FB6]  }
0x3d: {  	_ =	shalt  }
0x3e: {  	_ =	shalt  }
0x3f: {  	_ =	shalt  }
0x40: {  	_ =	shalt  }
0x41: {  	_ =	shalt  }
0x42: {  	_ =	shalt  }
0x43: {  	_ =	shalt  }
0x44: {  	_ =	shalt  }
0x45: {  	_ =	shalt  }
0x46: {  	_ =	shalt  }
0x47: {  	_ =	shalt  }
0x48: {  	_ =	shalt  }
0x49: {  	_ =	shalt  }
0x4a: {  	_ =	shalt  }
0x4b: {  	_ =	shalt  }
0x4c: {  	_ =	shalt  }
0x4d: {  	_ =	shalt  }
0x4e: {  	_ =	shalt  }
0x4f: {  	_ =	shalt  }
0x50: {  	_ =	shalt  }
0x51: {  	_ =	shalt  }
0x52: {  	_ =	shalt  }
0x53: {  	_ =	shalt  }
0x54: {  	_ =	shalt  }
0x55: {  	_ =	shalt  }
0x56: {  	_ =	shalt  }
0x57: {  	_ =	shalt  }
0x58: {  	_ =	shalt  }
0x59: {  	_ =	shalt  }
0x5a: {  	_ =	shalt  }
0x5b: {  	_ =	shalt  }
0x5c: {  	_ =	shalt  }
0x5d: {  	_ =	shalt  }
0x5e: {  	_ =	shalt  }
0x5f: {  	_ =	shalt  }
0x60: {  	_ =	shalt  }
0x61: {  	_ =	shalt  }
0x62: {  	_ =	shalt  }
0x63: {  	_ =	shalt  }
0x64: {  	_ =	shalt  }
0x65: {  	_ =	shalt  }
0x66: {  	_ =	shalt  }
0x67: {  	_ =	shalt  }
0x68: {  	_ =	shalt  }
0x69: {  	_ =	shalt  }
0x6a: {  	_ =	shalt  }
0x6b: {  	_ =	shalt  }
0x6c: {  	_ =	shalt  }
0x6d: {  	_ =	shalt  }
0x6e: {  	_ =	shalt  }
0x6f: {  	_ =	shalt  }
0x70: {  	_ =	shalt  }
0x71: {  	_ =	shalt  }
0x72: {  	_ =	shalt  }
0x73: {  	_ =	shalt  }
0x74: {  	_ =	shalt  }
0x75: {  	_ =	shalt  }
0x76: {  	_ =	shalt  }
0x77: {  	_ =	shalt  }
0x78: {  	_ =	shalt  }
0x79: {  	_ =	shalt  }
0x7a: {  	_ =	shalt  }
0x7b: {  	_ =	shalt  }
0x7c: {  	_ =	shalt  }
0x7d: {  	_ =	shalt  }
0x7e: {  	_ =	shalt  }
0x7f: {  	_ =	shalt  }
0x80: {  	_ =	shalt  }
0x81: {  	_ =	shalt  }
0x82: {  	_ =	shalt  }
0x83: {  	_ =	shalt  }
0x84: {  	_ =	shalt  }
0x85: {  	_ =	shalt  }
0x86: {  	_ =	shalt  }
0x87: {  	_ =	shalt  }
.Lfunc_end0:
.L_simem_size_0:
called_computation.1_lowered:
.L_overlay_start_0:
0x88: {  	s2 =	sld [smem:$0x3FD9]  }
0x89: {  	s3 =	sld [smem:$0x3FFE];
	_ =	sdelay $0x1  }
0x8a: {  	s1 =	srdreg.scid  }
0x8b: {  	s0 =	sand.u32 $0x1, s1  }
0x8c: {  	s16 =	sshll.u32 s0, $0xA;
	s2 =	sadd.s32 s3, s2  }
0x8d: {  	s2 =	sadd.s32 s2, s16  }
0x8e: {  	[smem:$0x3FC2] =	sst s2  }
0x8f: {  	_ = 	snop  }
0x90: {  	(tm) =	ssettm $0x1  }
0x91: {  	s17 =	sld [smem:$0x3FFB];
	_ =	sdelay $0x3  }
0x92: {  	_ =	strace s17  }
0x93: {  	s2 =	sld [smem:$0x3FFC];
	_ =	sdelay $0x3  }
0x94: {  	_ =	strace s2  }
0x95: {  	s2 =	sld [smem:$0x3FFD];
	_ =	sdelay $0x3  }
0x96: {  	_ =	strace s2  }
0x97: {  	_ =	strace $0x8FFFFFFF  }
0x98: {  	s18 =	sld [smem:$0x3FDB];
	_ =	sdelay $0x1  }
0x99: {  	s19 =	simm.s32 $_scs_section_size  }
0x9a: {  	s4 =	simm.s32 $_size__tile_overlayer_lowered;
	s5 =	simm.s32 $_tile_overlayer_lowered  }
0x9b: {  	s22 =	simm.s32 $0x1BFF;
	s21 =	sshll.u32 s5, $0x1;
	s2 =	sadd.s32 s19, s18  }
0x9c: {  	s6 =	simm.s32 $0x0;
	s20 =	sshll.u32 s4, $0x1;
	s4 =	sadd.s32 s21, s2  }
0x9d: {  	[timem:s6], [sflag:s22] =	dma.local [hbm:s4], s20  }
0x9e: {  	_ =	swait.ge [sflag:s22], s20  }
0x9f: {  	s3 =	ssub.s32 $0x0, s20;
	[sflag:s22] =	ssyncset.done $0x0  }
0xa0: {  	[sflag:s22] =	ssyncadd.s32 s3;
	_ =	sdelay $0x1  }
0xa1: {  	s23 =	simm.s32 $0x1B8B  }
0xa2: {  	_ =	swait.ge [sflag:s23], $0x1  }
0xa3: {  	[sflag:s23] =	ssyncset.done $0x0  }
0xa4: {  	s25 =	simm.s32 $0x1B8E;
	s24 =	sld [smem:$0x3FFE];
	[sflag:s23] =	ssyncadd.s32 $0xFFFFFFFF  }
0xa5: {  	s26 =	simm.s32 $execute0_lowered;
	[smem:$0x3FD2] =	sst s25  }
0xa6: {  	s4 =	sshll.u32 s26, $0x1;
	_ =	strace $0x80000049;
	[dreg:$0x1] =	wrdreg $0xFFFFFFFF  }
0xa7: {  	s28 =	simm.s32 $_size_execute0_lowered;
	s2 =	sadd.s32 s2, s4;
	[dreg:$0x0] =	wrdreg $0x0  }
0xa8: {  	s4 =	sshll.u32 s28, $0x1;
	[dreg:$0x2] =	wrdreg s2  }
0xa9: {  	[dreg:$0x3] =	wrdreg s4  }
0xaa: {  	[dreg:$0x4] =	wrdreg $0xC0  }
0xab: {  	_ =	task [dreg:s6], $0x5FFFF  }
0xac: {  	[dreg:$0x1] =	wrdreg $0xFFFFFFFF  }
0xad: {  	[dreg:$0x0] =	wrdreg $0x60  }
0xae: {  	[dreg:$0x2] =	wrdreg s24  }
0xaf: {  	[dreg:$0x3] =	wrdreg $0x9  }
0xb0: {  	_ =	task.clear_ibuf [dreg:s6], $0x4FFFF;
	_ =	strace $0x90000049  }
0xb1: {  	s29 =	simm.s32 $0x9;
	_ =	strace $0x8000004B  }
0xb2: {  	_ =	swait.ge [sflag:s29], $0x1  }
0xb3: {  	[sflag:s29] =	ssyncadd.s32 $0xFFFFFFFF  }
0xb4: {  	_ =	strace $0x9000004B  }
0xb5: {  	_ =	sfence  }
0xb6: {  	s30 =	sld [smem:$0x0];
	_ =	sdelay $0x2  }
0xb7: {  	s31 =	sshll.u32 s1, $0xD;
	s1 =	sshrl.u32 s1, $0x2  }
0xb8: {  	s3 =	sand.u32 $0x4000, s31;
	s1 =	sadd.s32 s1, s30  }
0xb9: {  	s0 =	sor.u32 s3, s0;
	s1 =	sshll.u32 s1, $0x11  }
0xba: {  	s0 =	sor.u32 s1, s0  }
0xbb: {  	s0 =	sadd.s32 $0x8F2B, s0  }
0xbc: {  	[sflag:s0] =	ssyncadd.remote.s32 $0x1  }
0xbd: {  	_ =	sfence.sel $0xFFFF  }
0xbe: {  	[dreg:$0x0] =	wrdreg $0xFFFFFFFF;
	(pc) =	sbr.abs _section_cstart, $3  }
0xbf: {  	[dreg:$0x1] =	wrdreg $0xFFFFFFFF  }
0xc0: {  	_ =	task.clear_ibuf [dreg:s6], $0x2FFFF;
	_ =	strace $0x9FFFFFFF  }
0xc1: {  	(tm) =	ssettm $0x7FFFFFFF  }
tec
execute0_lowered:
.L_overlay_start_1:
0x0: {  	(tag) =	ssettag $0x1  }
0x1: {  	s4 =	rddreg [dreg:$0x0]  }
0x2: {  	s0 =	rddreg [dreg:$0x1];
	s3 =	srdreg.scid  }
0x3: {  	s1 =	stileid.u32;
	s2 =	simm.s32 $0x0;
	s10 =	simm.s32 $0xC00  }
0x4: {  	s11 =	simm.s32 $0x100;
	s12 =	simm.s32 $0x1400;
	s13 =	simm.s32 $0x180  }
0x5: {  	s14 =	simm.s32 $0x1C00;
	s15 =	simm.s32 $0x200;
	s16 =	simm.s32 $0x2400  }
0x6: {  	s17 =	simm.s32 $0x280;
	s18 =	simm.s32 $0x2C00;
	s19 =	simm.s32 $0x300  }
0x7: {  	s20 =	simm.s32 $0x3400;
	s21 =	simm.s32 $0x380;
	s22 =	simm.s32 $0x3C00  }
0x8: {  	s23 =	simm.s32 $0x1;
	s24 =	simm.s32 $0x0;
	s6 =	smul.u32 $0xF000, s1  }
0x9: {  	s5 =	sand.u32 $0x1, s3;
	[smem:$0x7FF] =	sst s2;
	s8 =	smul.u32 $0x1E000, s1  }
0xa: {  	s3 =	sadd.s32 $0xDF800, s4;
	s7 =	smul.u32 $0x7800, s5;
	s30 =	ssub.s32 $0x2, s5  }
0xb: {  	_ =	strace $0x8000004A;
	s5 =	smul.u32 $0xF000, s5;
	s9 =	sshrl.u32 s30, $0x1  }
0xc: {  	s8 =	sadd.s32 s8, s4;
	s6 =	sadd.s32 s7, s6;
	s31 =	ssub.s32 s30, s9  }
0xd: {  	s5 =	sadd.s32 s5, s8;
	s7 =	simm.s32 $0x2;
	s6 =	sshrl.u32 s6, $0x3  }
0xe: {  	s8 =	simm.s32 $0x80;
	s9 =	simm.s32 $0x400;
	s6 =	sadd.s32 s6, s4  }
0xf: {  	s5 =	sadd.s32 $0xF7800, s5;
	s4 =	smax.u32 s31, $0x1;
	s6 =	sadd.s32 $0x1800, s6  }
.LBB2_1:
0x10: {  	s25 =	sadd.s32 $0x0, s6  }
0x11: {  	[tilespmem:s2], [sflag:$0x2] =	stream.linear.gather [hbm4b:s25+s2], $0x400, $0x38;
	[tilespmem:$0x4400] =	vst v63  }
0x12: {  	_ =	swait.ge [sflag:s7], $0x400  }
0x13: {  	[sflag:s7] =	ssyncset.done $0x0  }
0x14: {  	[sflag:s7] =	ssyncadd.s32 $0xFFFFFC00  }
0x15: {  	[tilespmem:s9], [sflag:$0x1] =	stream.indirect.gather [hbm4b:s3+s8], $0x10, s2, s8, $0xb8;
	[tilespmem:$0x4400] =	vst v63  }
0x16: {  	_ = 	snop  }
0x17: {  	[tilespmem:s10], [sflag:$0x1] =	stream.indirect.gather [hbm4b:s3+s8], $0x10, s8, s8, $0xb8;
	[tilespmem:$0x4400] =	vst v63  }
0x18: {  	_ = 	snop  }
0x19: {  	[tilespmem:s12], [sflag:$0x1] =	stream.indirect.gather [hbm4b:s3+s8], $0x10, s11, s8, $0xb8;
	[tilespmem:$0x4400] =	vst v63  }
0x1a: {  	_ = 	snop  }
0x1b: {  	[tilespmem:s14], [sflag:$0x1] =	stream.indirect.gather [hbm4b:s3+s8], $0x10, s13, s8, $0xb8;
	[tilespmem:$0x4400] =	vst v63  }
0x1c: {  	_ = 	snop  }
0x1d: {  	[tilespmem:s16], [sflag:$0x1] =	stream.indirect.gather [hbm4b:s3+s8], $0x10, s15, s8, $0xb8;
	[tilespmem:$0x4400] =	vst v63  }
0x1e: {  	_ = 	snop  }
0x1f: {  	[tilespmem:s18], [sflag:$0x1] =	stream.indirect.gather [hbm4b:s3+s8], $0x10, s17, s8, $0xb8;
	[tilespmem:$0x4400] =	vst v63  }
0x20: {  	_ = 	snop  }
0x21: {  	[tilespmem:s20], [sflag:$0x1] =	stream.indirect.gather [hbm4b:s3+s8], $0x10, s19, s8, $0xb8;
	[tilespmem:$0x4400] =	vst v63  }
0x22: {  	_ = 	snop  }
0x23: {  	[tilespmem:s22], [sflag:$0x1] =	stream.indirect.gather [hbm4b:s3+s8], $0x10, s21, s8, $0xb8;
	[tilespmem:$0x4400] =	vst v63  }
0x24: {  	_ =	swait.ge [sflag:s23], $0x800  }
0x25: {  	[sflag:s23] =	ssyncset.done $0x0  }
0x26: {  	[sflag:s23] =	ssyncadd.s32 $0xFFFFF800  }
0x27: {  	_ =	swait.ge [sflag:s23], $0x800  }
0x28: {  	[sflag:s23] =	ssyncset.done $0x0  }
0x29: {  	[sflag:s23] =	ssyncadd.s32 $0xFFFFF800  }
0x2a: {  	_ =	swait.ge [sflag:s23], $0x800  }
0x2b: {  	[sflag:s23] =	ssyncset.done $0x0  }
0x2c: {  	[sflag:s23] =	ssyncadd.s32 $0xFFFFF800  }
0x2d: {  	_ =	swait.ge [sflag:s23], $0x800  }
0x2e: {  	[sflag:s23] =	ssyncset.done $0x0  }
0x2f: {  	[sflag:s23] =	ssyncadd.s32 $0xFFFFF800  }
0x30: {  	_ =	swait.ge [sflag:s23], $0x800  }
0x31: {  	[sflag:s23] =	ssyncset.done $0x0  }
0x32: {  	[sflag:s23] =	ssyncadd.s32 $0xFFFFF800  }
0x33: {  	_ =	swait.ge [sflag:s23], $0x800  }
0x34: {  	[sflag:s23] =	ssyncset.done $0x0  }
0x35: {  	[sflag:s23] =	ssyncadd.s32 $0xFFFFF800  }
0x36: {  	_ =	swait.ge [sflag:s23], $0x800  }
0x37: {  	[sflag:s23] =	ssyncset.done $0x0  }
0x38: {  	[sflag:s23] =	ssyncadd.s32 $0xFFFFF800  }
0x39: {  	_ =	swait.ge [sflag:s23], $0x800  }
0x3a: {  	[sflag:s23] =	ssyncset.done $0x0  }
0x3b: {  	[sflag:s23] =	ssyncadd.s32 $0xFFFFF800  }
0x3c: {  	[hbm4b:s5+s2] =	stream.linear.scatter [tilespmem:s9], [sflag:$0x2], $0x4000, $0x38;
	[tilespmem:$0x4400] =	vst v63  }
0x3d: {  	s26 =	simm.s32 $0x80;
	_ =	swait.ge [sflag:s7], $0x4000  }
0x3e: {  	s29 =	simm.s32 $0x100;
	s25 =	sadd.s32 $0x800, s5;
	[sflag:s7] =	ssyncset.done $0x0  }
.LBB2_2:
0x3f: {  	s30 =	sadd.s32 s26, s6  }
0x40: {  	[sflag:s7] =	ssyncadd.s32 $0xFFFFC000;
	s26 =	smov.u32 s29;
	s28 =	sadd.s32 $0x80, s29  }
0x41: {  	[tilespmem:s2], [sflag:$0x2] =	stream.linear.gather [hbm4b:s30+s2], $0x400, $0x38;
	[tilespmem:$0x4400] =	vst v63  }
0x42: {  	p0 =	sne.s32 s29, $0xE80;
	_ =	swait.ge [sflag:s7], $0x400  }
0x43: {  	[sflag:s7] =	ssyncset.done $0x0  }
0x44: {  	[sflag:s7] =	ssyncadd.s32 $0xFFFFFC00  }
0x45: {  	[tilespmem:s9], [sflag:$0x1] =	stream.indirect.gather [hbm4b:s3+s8], $0x10, s2, s8, $0xb8;
	[tilespmem:$0x4400] =	vst v63  }
0x46: {  	_ = 	snop  }
0x47: {  	[tilespmem:s10], [sflag:$0x1] =	stream.indirect.gather [hbm4b:s3+s8], $0x10, s8, s8, $0xb8;
	[tilespmem:$0x4400] =	vst v63  }
0x48: {  	_ = 	snop  }
0x49: {  	[tilespmem:s12], [sflag:$0x1] =	stream.indirect.gather [hbm4b:s3+s8], $0x10, s11, s8, $0xb8;
	[tilespmem:$0x4400] =	vst v63  }
0x4a: {  	_ = 	snop  }
0x4b: {  	[tilespmem:s14], [sflag:$0x1] =	stream.indirect.gather [hbm4b:s3+s8], $0x10, s13, s8, $0xb8;
	[tilespmem:$0x4400] =	vst v63  }
0x4c: {  	_ = 	snop  }
0x4d: {  	[tilespmem:s16], [sflag:$0x1] =	stream.indirect.gather [hbm4b:s3+s8], $0x10, s15, s8, $0xb8;
	[tilespmem:$0x4400] =	vst v63  }
0x4e: {  	_ = 	snop  }
0x4f: {  	[tilespmem:s18], [sflag:$0x1] =	stream.indirect.gather [hbm4b:s3+s8], $0x10, s17, s8, $0xb8;
	[tilespmem:$0x4400] =	vst v63  }
0x50: {  	_ = 	snop  }
0x51: {  	[tilespmem:s20], [sflag:$0x1] =	stream.indirect.gather [hbm4b:s3+s8], $0x10, s19, s8, $0xb8;
	[tilespmem:$0x4400] =	vst v63  }
0x52: {  	_ = 	snop  }
0x53: {  	[tilespmem:s22], [sflag:$0x1] =	stream.indirect.gather [hbm4b:s3+s8], $0x10, s21, s8, $0xb8;
	[tilespmem:$0x4400] =	vst v63  }
0x54: {  	_ =	swait.ge [sflag:s23], $0x800  }
0x55: {  	[sflag:s23] =	ssyncset.done $0x0  }
0x56: {  	[sflag:s23] =	ssyncadd.s32 $0xFFFFF800  }
0x57: {  	_ =	swait.ge [sflag:s23], $0x800  }
0x58: {  	[sflag:s23] =	ssyncset.done $0x0  }
0x59: {  	[sflag:s23] =	ssyncadd.s32 $0xFFFFF800  }
0x5a: {  	_ =	swait.ge [sflag:s23], $0x800  }
0x5b: {  	[sflag:s23] =	ssyncset.done $0x0  }
0x5c: {  	[sflag:s23] =	ssyncadd.s32 $0xFFFFF800  }
0x5d: {  	_ =	swait.ge [sflag:s23], $0x800  }
0x5e: {  	[sflag:s23] =	ssyncset.done $0x0  }
0x5f: {  	[sflag:s23] =	ssyncadd.s32 $0xFFFFF800  }
0x60: {  	_ =	swait.ge [sflag:s23], $0x800  }
0x61: {  	[sflag:s23] =	ssyncset.done $0x0  }
0x62: {  	[sflag:s23] =	ssyncadd.s32 $0xFFFFF800  }
0x63: {  	_ =	swait.ge [sflag:s23], $0x800  }
0x64: {  	[sflag:s23] =	ssyncset.done $0x0  }
0x65: {  	[sflag:s23] =	ssyncadd.s32 $0xFFFFF800  }
0x66: {  	_ =	swait.ge [sflag:s23], $0x800  }
0x67: {  	[sflag:s23] =	ssyncset.done $0x0  }
0x68: {  	[sflag:s23] =	ssyncadd.s32 $0xFFFFF800  }
0x69: {  	_ =	swait.ge [sflag:s23], $0x800  }
.Ltmp0:
0x6a: {  	[sflag:s23] =	ssyncset.done $0x0;
	(pc) =	sbr.rel @p0 .LBB2_2-.Ltmp0, $4  }
0x6b: {  	[sflag:s23] =	ssyncadd.s32 $0xFFFFF800  }
0x6c: {  	[hbm4b:s25+s2] =	stream.linear.scatter [tilespmem:s9], [sflag:$0x2], $0x4000, $0x38;
	[tilespmem:$0x4400] =	vst v63  }
0x6d: {  	_ =	swait.ge [sflag:s7], $0x4000  }
0x6e: {  	s29 =	smov.u32 s28;
	s25 =	sadd.s32 $0x800, s25;
	[sflag:s7] =	ssyncset.done $0x0  }
0x6f: {  	s26 =	sadd.s32 s26, s6;
	[sflag:s7] =	ssyncadd.s32 $0xFFFFC000  }
0x70: {  	[tilespmem:s2], [sflag:$0x2] =	stream.linear.gather [hbm4b:s26+s2], $0x400, $0x38;
	[tilespmem:$0x4400] =	vst v63  }
0x71: {  	_ =	swait.ge [sflag:s7], $0x400  }
0x72: {  	[sflag:s7] =	ssyncset.done $0x0  }
0x73: {  	[sflag:s7] =	ssyncadd.s32 $0xFFFFFC00  }
0x74: {  	[tilespmem:s9], [sflag:$0x1] =	stream.indirect.gather [hbm4b:s3+s8], $0x10, s2, s8, $0xb8;
	[tilespmem:$0x4400] =	vst v63  }
0x75: {  	_ = 	snop  }
0x76: {  	[tilespmem:s10], [sflag:$0x1] =	stream.indirect.gather [hbm4b:s3+s8], $0x10, s8, s8, $0xb8;
	[tilespmem:$0x4400] =	vst v63  }
0x77: {  	_ = 	snop  }
0x78: {  	[tilespmem:s12], [sflag:$0x1] =	stream.indirect.gather [hbm4b:s3+s8], $0x10, s11, s8, $0xb8;
	[tilespmem:$0x4400] =	vst v63  }
0x79: {  	_ = 	snop  }
0x7a: {  	[tilespmem:s14], [sflag:$0x1] =	stream.indirect.gather [hbm4b:s3+s8], $0x10, s13, s8, $0xb8;
	[tilespmem:$0x4400] =	vst v63  }
0x7b: {  	_ = 	snop  }
0x7c: {  	[tilespmem:s16], [sflag:$0x1] =	stream.indirect.gather [hbm4b:s3+s8], $0x10, s15, s8, $0xb8;
	[tilespmem:$0x4400] =	vst v63  }
0x7d: {  	_ = 	snop  }
0x7e: {  	[tilespmem:s18], [sflag:$0x1] =	stream.indirect.gather [hbm4b:s3+s8], $0x10, s17, s8, $0xb8;
	[tilespmem:$0x4400] =	vst v63  }
0x7f: {  	_ = 	snop  }
0x80: {  	[tilespmem:s20], [sflag:$0x1] =	stream.indirect.gather [hbm4b:s3+s8], $0x10, s19, s8, $0xb8;
	[tilespmem:$0x4400] =	vst v63  }
0x81: {  	_ = 	snop  }
0x82: {  	[tilespmem:s22], [sflag:$0x1] =	stream.indirect.gather [hbm4b:s3+s8], $0x10, s21, s8, $0xb8;
	[tilespmem:$0x4400] =	vst v63  }
0x83: {  	_ =	swait.ge [sflag:s23], $0x800  }
0x84: {  	[sflag:s23] =	ssyncset.done $0x0  }
0x85: {  	[sflag:s23] =	ssyncadd.s32 $0xFFFFF800  }
0x86: {  	_ =	swait.ge [sflag:s23], $0x800  }
0x87: {  	[sflag:s23] =	ssyncset.done $0x0  }
0x88: {  	[sflag:s23] =	ssyncadd.s32 $0xFFFFF800  }
0x89: {  	_ =	swait.ge [sflag:s23], $0x800  }
0x8a: {  	[sflag:s23] =	ssyncset.done $0x0  }
0x8b: {  	[sflag:s23] =	ssyncadd.s32 $0xFFFFF800  }
0x8c: {  	_ =	swait.ge [sflag:s23], $0x800  }
0x8d: {  	[sflag:s23] =	ssyncset.done $0x0  }
0x8e: {  	[sflag:s23] =	ssyncadd.s32 $0xFFFFF800  }
0x8f: {  	_ =	swait.ge [sflag:s23], $0x800  }
0x90: {  	[sflag:s23] =	ssyncset.done $0x0  }
0x91: {  	[sflag:s23] =	ssyncadd.s32 $0xFFFFF800  }
0x92: {  	_ =	swait.ge [sflag:s23], $0x800  }
0x93: {  	[sflag:s23] =	ssyncset.done $0x0  }
0x94: {  	[sflag:s23] =	ssyncadd.s32 $0xFFFFF800  }
0x95: {  	_ =	swait.ge [sflag:s23], $0x800  }
0x96: {  	[sflag:s23] =	ssyncset.done $0x0  }
0x97: {  	[sflag:s23] =	ssyncadd.s32 $0xFFFFF800  }
0x98: {  	s24 =	sadd.s32 $0x1, s24;
	_ =	swait.ge [sflag:s23], $0x800  }
0x99: {  	p0 =	sne.s32 s24, s4;
	[sflag:s23] =	ssyncset.done $0x0  }
.Ltmp1:
0x9a: {  	[sflag:s23] =	ssyncadd.s32 $0xFFFFF800;
	(pc) =	sbr.rel @p0 .LBB2_1-.Ltmp1, $4  }
0x9b: {  	[hbm4b:s25+s2] =	stream.linear.scatter [tilespmem:s9], [sflag:$0x2], $0x4000, $0x38;
	[tilespmem:$0x4400] =	vst v63  }
0x9c: {  	_ =	swait.ge [sflag:s7], $0x4000  }
0x9d: {  	[sflag:s7] =	ssyncset.done $0x0  }
0x9e: {  	[sflag:s7] =	ssyncadd.s32 $0xFFFFC000  }
0x9f: {  	_ =	sfence.sel $0x180000  }
0xa0: {  	[bflag:$0x0] =	sbarrier.arrive $0xFFFF  }
0xa1: {  	p0 =	sne.s32 s1, $0x0;
	_ =	strace $0x9000004A  }
0xa2: {  	s0 =	sadd.s32 @!p0 $0x100000, s0;
	[bflag:$0x2] =	sbarrier.arrive $0xFFFF  }
0xa3: {  	[sflag:s0] =	ssyncadd.tile.s32 @!p0 $0x1;
	_ =	shalt  }
.Lfunc_end2:
_tile_overlayer_lowered:
.L_overlay_start_2:
0xa4: {  	(tag) =	ssettag $0x2  }
0xa5: {  	s0 =	rddreg [dreg:$0x0];
	s2 =	stileid.u32  }
0xa6: {  	s1 =	rddreg [dreg:$0x1];
	p0 =	sne.s32 s2, $0x0  }
0xa7: {  	s3 =	rddreg [dreg:$0x2];
	[bflag:$0x3] =	sbarrier.arrive $0xFFFF;
	s2 =	simm.s32 @!p0 $0x1C02  }
0xa8: {  	[timem:s3], [sflag:s2] =	dma.local @!p0 [hbm:s0], s1  }
0xa9: {  	s0 =	simm.s32 @!p0 $0x2  }
0xaa: {  	_ =	swait.ge @!p0 [sflag:s0], s1  }
0xab: {  	s1 =	ssub.s32 @!p0 $0x0, s1;
	[sflag:s0] =	ssyncset.done @!p0 $0x0  }
0xac: {  	[sflag:s0] =	ssyncadd.s32 @!p0 s1  }
0xad: {  	[bflag:$0x3] =	sbarrier.arrive $0xFFFF  }
0xae: {  	_ =	shalt  }

// kernel: kernel.16.cloned.1.call-start
scs
__scs_entry_jumppad:
0x0: {  	(pc) =	sbr.rel $0x88, $3  }
0x1: {  	(tag) =	ssettag $0x0;
	lr =	simm.s32 $0x1  }
0x2: {  	[smem:$0x3F9B] =	sst lr;
	_ =	strace $0xD0000000  }
0x3: {  	_ = 	snop  }
0x4: {  	_ = 	snop  }
0x5: {  	_ = 	snop  }
0x6: {  	_ = 	snop  }
0x7: {  	_ = 	snop  }
__scs_overlays_trampoline_lowered:
0x8: {  	[smem:$0x3FAA] =	sst s0  }
0x9: {  	[smem:$0x3FAB] =	sst s1  }
0xa: {  	[smem:$0x3FAC] =	sst s2  }
0xb: {  	[smem:$0x3FAD] =	sst s3  }
0xc: {  	[smem:$0x3FAE] =	sst s4  }
0xd: {  	[smem:$0x3FAF] =	sst s5  }
0xe: {  	[smem:$0x3FB0] =	sst s6  }
0xf: {  	[smem:$0x3FB1] =	sst s7  }
0x10: {  	[smem:$0x3FB2] =	sst s8  }
0x11: {  	[smem:$0x3FB3] =	sst s9;
	s0 =	simm.s32 @!p0 $0x0  }
0x12: {  	s1 =	sld [smem:$0x3F99];
	s0 =	simm.s32 @p0 $0x1  }
0x13: {  	[smem:$0x3FB4] =	sst s0;
	s0 =	simm.s32 @!p1 $0x0  }
0x14: {  	s2 =	sld [smem:$0x3F98];
	s0 =	simm.s32 @p1 $0x1  }
0x15: {  	[smem:$0x3FB5] =	sst s0;
	s0 =	simm.s32 @!p2 $0x0  }
0x16: {  	s3 =	sld [smem:$0x3FDB];
	s0 =	simm.s32 @p2 $0x1  }
0x17: {  	s4 =	simm.s32 $0x1BF5;
	[smem:$0x3FB7] =	sst s0  }
0x18: {  	s0 =	sld [smem:$0x3F9A];
	_ =	swait.ge [sflag:s4], $0x0  }
0x19: {  	s7 =	sld [smem:$0x3F9B]  }
0x1a: {  	s8 =	sadd.s32 $0xFFFFE003, lr  }
0x1b: {  	s9 =	sadd.s32 $0xFFFFFEF7, lr;
	s5 =	simm.s32 $0xFFFFFFFF;
	p2 =	slt.u32 s8, $0xFFFFF086  }
0x1c: {  	p1 =	slt.u32 s9, $0xF7A;
	s5 =	simm.s32 @!p2 $0x0  }
0x1d: {  	s5 =	simm.s32 @p1 $0x1;
	p0 =	seq.s32 s7, s2  }
0x1e: {  	s7 =	smul.u32 @!p0 $0xF7A, s2;
	p2 =	seq.s32 @!p0 s5, $0x0  }
0x1f: {  	s9 =	smul.u32 $0xF7A, s1;
	s8 =	simm.s32 @!p0 $0x1BF5;
	p2 =	por !p2, p0  }
0x20: {  	[sflag:s8] =	ssyncset.s32 @!p0 $0xFFFFF086;
	s6 =	sadd.s32 @!p0 s3, s7;
	s7 =	simm.s32 @!p0 $0x108  }
0x21: {  	s3 =	sadd.s32 s3, s9;
	s6 =	sadd.s32 @!p0 $0x88, s6;
	s7 =	simm.s32 @p2 $0x1082  }
0x22: {  	[simem:s7], [sflag:s8] =	dma.local @!p0 [hbm:s6], $0xF7A  }
0x23: {  	s9 =	sor.u32 $0xD0000000, s2;
	s6 =	simm.s32 $0x108;
	_ =	swait.ge @!p0 [sflag:s8], $0x0  }
0x24: {  	s3 =	sadd.s32 $0x88, s3;
	s6 =	simm.s32 @!p1 $0x1082;
	[sflag:s4] =	ssyncset.s32 $0xFFFFF086  }
0x25: {  	[simem:s6], [sflag:s4] =	dma.local [hbm:s3], $0xF7A  }
0x26: {  	[smem:$0x3F9B] =	sst s1;
	(tag) =	ssettag s2;
	_ =	strace s9  }
0x27: {  	s1 =	sld [smem:$0x3FAB]  }
0x28: {  	s2 =	sld [smem:$0x3FAC]  }
0x29: {  	s4 =	sld [smem:$0x3FAE]  }
0x2a: {  	p0 =	seq.s32 s5, $0x0;
	s5 =	sld [smem:$0x3FAF]  }
0x2b: {  	s6 =	sld [smem:$0x3FB0]  }
0x2c: {  	s7 =	sld [smem:$0x3FB1]  }
0x2d: {  	s3 =	simm.s32 $0x108;
	s8 =	sld [smem:$0x3FB2]  }
0x2e: {  	s3 =	simm.s32 @!p0 $0x1082;
	s9 =	sld [smem:$0x3FB3]  }
0x2f: {  	lr =	sadd.s32 s0, s3;
	s0 =	sld [smem:$0x3FAA]  }
0x30: {  	s3 =	sld [smem:$0x3FAD]  }
0x31: {  	[smem:$0x3FB6] =	sst s10  }
0x32: {  	s10 =	sld [smem:$0x3FB4];
	_ =	sdelay $0x3  }
0x33: {  	p0 =	seq.s32 s10, $0x1;
	s10 =	sld [smem:$0x3FB6];
	_ =	sdelay $0x3  }
0x34: {  	[smem:$0x3FB6] =	sst s10  }
0x35: {  	s10 =	sld [smem:$0x3FB5];
	_ =	sdelay $0x3  }
0x36: {  	p1 =	seq.s32 s10, $0x1;
	s10 =	sld [smem:$0x3FB6];
	_ =	sdelay $0x3  }
0x37: {  	[smem:$0x3FB6] =	sst s10  }
0x38: {  	s10 =	sld [smem:$0x3FB7]  }
0x39: {  	_ = 	snop;
	(pc) =	sbr.ind lr, $3  }
0x3a: {  	_ = 	snop  }
0x3b: {  	_ = 	snop  }
0x3c: {  	p2 =	seq.s32 s10, $0x1;
	s10 =	sld [smem:$0x3FB6]  }
0x3d: {  	_ =	shalt  }
0x3e: {  	_ =	shalt  }
0x3f: {  	_ =	shalt  }
0x40: {  	_ =	shalt  }
0x41: {  	_ =	shalt  }
0x42: {  	_ =	shalt  }
0x43: {  	_ =	shalt  }
0x44: {  	_ =	shalt  }
0x45: {  	_ =	shalt  }
0x46: {  	_ =	shalt  }
0x47: {  	_ =	shalt  }
0x48: {  	_ =	shalt  }
0x49: {  	_ =	shalt  }
0x4a: {  	_ =	shalt  }
0x4b: {  	_ =	shalt  }
0x4c: {  	_ =	shalt  }
0x4d: {  	_ =	shalt  }
0x4e: {  	_ =	shalt  }
0x4f: {  	_ =	shalt  }
0x50: {  	_ =	shalt  }
0x51: {  	_ =	shalt  }
0x52: {  	_ =	shalt  }
0x53: {  	_ =	shalt  }
0x54: {  	_ =	shalt  }
0x55: {  	_ =	shalt  }
0x56: {  	_ =	shalt  }
0x57: {  	_ =	shalt  }
0x58: {  	_ =	shalt  }
0x59: {  	_ =	shalt  }
0x5a: {  	_ =	shalt  }
0x5b: {  	_ =	shalt  }
0x5c: {  	_ =	shalt  }
0x5d: {  	_ =	shalt  }
0x5e: {  	_ =	shalt  }
0x5f: {  	_ =	shalt  }
0x60: {  	_ =	shalt  }
0x61: {  	_ =	shalt  }
0x62: {  	_ =	shalt  }
0x63: {  	_ =	shalt  }
0x64: {  	_ =	shalt  }
0x65: {  	_ =	shalt  }
0x66: {  	_ =	shalt  }
0x67: {  	_ =	shalt  }
0x68: {  	_ =	shalt  }
0x69: {  	_ =	shalt  }
0x6a: {  	_ =	shalt  }
0x6b: {  	_ =	shalt  }
0x6c: {  	_ =	shalt  }
0x6d: {  	_ =	shalt  }
0x6e: {  	_ =	shalt  }
0x6f: {  	_ =	shalt  }
0x70: {  	_ =	shalt  }
0x71: {  	_ =	shalt  }
0x72: {  	_ =	shalt  }
0x73: {  	_ =	shalt  }
0x74: {  	_ =	shalt  }
0x75: {  	_ =	shalt  }
0x76: {  	_ =	shalt  }
0x77: {  	_ =	shalt  }
0x78: {  	_ =	shalt  }
0x79: {  	_ =	shalt  }
0x7a: {  	_ =	shalt  }
0x7b: {  	_ =	shalt  }
0x7c: {  	_ =	shalt  }
0x7d: {  	_ =	shalt  }
0x7e: {  	_ =	shalt  }
0x7f: {  	_ =	shalt  }
0x80: {  	_ =	shalt  }
0x81: {  	_ =	shalt  }
0x82: {  	_ =	shalt  }
0x83: {  	_ =	shalt  }
0x84: {  	_ =	shalt  }
0x85: {  	_ =	shalt  }
0x86: {  	_ =	shalt  }
0x87: {  	_ =	shalt  }
.Lfunc_end0:
.L_simem_size_0:
called_computation.2_lowered:
.L_overlay_start_0:
0x88: {  	s2 =	sld [smem:$0x3FD9]  }
0x89: {  	s3 =	sld [smem:$0x3FFE];
	_ =	sdelay $0x1  }
0x8a: {  	s1 =	srdreg.scid  }
0x8b: {  	s0 =	sand.u32 $0x1, s1  }
0x8c: {  	s16 =	sshll.u32 s0, $0xA;
	s2 =	sadd.s32 s3, s2  }
0x8d: {  	s2 =	sadd.s32 s2, s16  }
0x8e: {  	[smem:$0x3FC2] =	sst s2  }
0x8f: {  	_ = 	snop  }
0x90: {  	(tm) =	ssettm $0x1  }
0x91: {  	s17 =	sld [smem:$0x3FFB];
	_ =	sdelay $0x3  }
0x92: {  	_ =	strace s17  }
0x93: {  	s2 =	sld [smem:$0x3FFC];
	_ =	sdelay $0x3  }
0x94: {  	_ =	strace s2  }
0x95: {  	s2 =	sld [smem:$0x3FFD];
	_ =	sdelay $0x3  }
0x96: {  	_ =	strace s2  }
0x97: {  	_ =	strace $0x8FFFFFFF  }
0x98: {  	s18 =	sld [smem:$0x3FDB];
	_ =	sdelay $0x1  }
0x99: {  	s19 =	simm.s32 $_scs_section_size  }
0x9a: {  	s4 =	simm.s32 $_size__tile_overlayer_lowered;
	s5 =	simm.s32 $_tile_overlayer_lowered  }
0x9b: {  	s22 =	simm.s32 $0x1BFF;
	s21 =	sshll.u32 s5, $0x1;
	s2 =	sadd.s32 s19, s18  }
0x9c: {  	s6 =	simm.s32 $0x0;
	s20 =	sshll.u32 s4, $0x1;
	s4 =	sadd.s32 s21, s2  }
0x9d: {  	[timem:s6], [sflag:s22] =	dma.local [hbm:s4], s20  }
0x9e: {  	_ =	swait.ge [sflag:s22], s20  }
0x9f: {  	s3 =	ssub.s32 $0x0, s20;
	[sflag:s22] =	ssyncset.done $0x0  }
0xa0: {  	[sflag:s22] =	ssyncadd.s32 s3;
	_ =	sdelay $0x1  }
0xa1: {  	s23 =	simm.s32 $0x1B8B  }
0xa2: {  	_ =	swait.ge [sflag:s23], $0x1  }
0xa3: {  	[sflag:s23] =	ssyncset.done $0x0  }
0xa4: {  	s25 =	simm.s32 $0x1B8E;
	s24 =	sld [smem:$0x3FFE];
	[sflag:s23] =	ssyncadd.s32 $0xFFFFFFFF  }
0xa5: {  	s26 =	simm.s32 $execute0_lowered;
	[smem:$0x3FD2] =	sst s25  }
0xa6: {  	s4 =	sshll.u32 s26, $0x1;
	_ =	strace $0x8000004C;
	[dreg:$0x1] =	wrdreg $0xFFFFFFFF  }
0xa7: {  	s28 =	simm.s32 $_size_execute0_lowered;
	s2 =	sadd.s32 s2, s4;
	[dreg:$0x0] =	wrdreg $0x0  }
0xa8: {  	s4 =	sshll.u32 s28, $0x1;
	[dreg:$0x2] =	wrdreg s2  }
0xa9: {  	[dreg:$0x3] =	wrdreg s4  }
0xaa: {  	[dreg:$0x4] =	wrdreg $0xC0  }
0xab: {  	_ =	task [dreg:s6], $0x5FFFF  }
0xac: {  	[dreg:$0x1] =	wrdreg $0xFFFFFFFF  }
0xad: {  	[dreg:$0x0] =	wrdreg $0x60  }
0xae: {  	[dreg:$0x2] =	wrdreg s24  }
0xaf: {  	[dreg:$0x3] =	wrdreg $0x9  }
0xb0: {  	_ =	task.clear_ibuf [dreg:s6], $0x4FFFF;
	_ =	strace $0x9000004C  }
0xb1: {  	s29 =	simm.s32 $0x9;
	_ =	strace $0x8000004E  }
0xb2: {  	_ =	swait.ge [sflag:s29], $0x1  }
0xb3: {  	[sflag:s29] =	ssyncadd.s32 $0xFFFFFFFF  }
0xb4: {  	_ =	strace $0x9000004E  }
0xb5: {  	_ =	sfence  }
0xb6: {  	s30 =	sld [smem:$0x0];
	_ =	sdelay $0x2  }
0xb7: {  	s31 =	sshll.u32 s1, $0xD;
	s1 =	sshrl.u32 s1, $0x2  }
0xb8: {  	s3 =	sand.u32 $0x4000, s31;
	s1 =	sadd.s32 s1, s30  }
0xb9: {  	s0 =	sor.u32 s3, s0;
	s1 =	sshll.u32 s1, $0x11  }
0xba: {  	s0 =	sor.u32 s1, s0  }
0xbb: {  	s0 =	sadd.s32 $0x8F2B, s0  }
0xbc: {  	[sflag:s0] =	ssyncadd.remote.s32 $0x1  }
0xbd: {  	_ =	sfence.sel $0xFFFF  }
0xbe: {  	[dreg:$0x0] =	wrdreg $0xFFFFFFFF;
	(pc) =	sbr.abs _section_cstart, $3  }
0xbf: {  	[dreg:$0x1] =	wrdreg $0xFFFFFFFF  }
0xc0: {  	_ =	task.clear_ibuf [dreg:s6], $0x2FFFF;
	_ =	strace $0x9FFFFFFF  }
0xc1: {  	(tm) =	ssettm $0x7FFFFFFF  }
tec
execute0_lowered:
.L_overlay_start_1:
0x0: {  	(tag) =	ssettag $0x1  }
0x1: {  	s4 =	rddreg [dreg:$0x0]  }
0x2: {  	s0 =	rddreg [dreg:$0x1];
	s3 =	srdreg.scid  }
0x3: {  	s1 =	stileid.u32;
	s2 =	simm.s32 $0x0;
	s10 =	simm.s32 $0x1400  }
0x4: {  	s11 =	simm.s32 $0x100;
	s12 =	simm.s32 $0x2400;
	s13 =	simm.s32 $0x180  }
0x5: {  	s14 =	simm.s32 $0x3400;
	s15 =	simm.s32 $0x200;
	s16 =	simm.s32 $0x4400  }
0x6: {  	s17 =	simm.s32 $0x280;
	s18 =	simm.s32 $0x5400;
	s19 =	simm.s32 $0x300  }
0x7: {  	s20 =	simm.s32 $0x6400;
	s21 =	simm.s32 $0x380;
	s22 =	simm.s32 $0x7400  }
0x8: {  	s23 =	simm.s32 $0x1;
	s24 =	simm.s32 $0x0;
	s6 =	smul.u32 $0xF000, s1  }
0x9: {  	s5 =	sand.u32 $0x1, s3;
	[smem:$0x7FF] =	sst s2;
	s8 =	smul.u32 $0x3C000, s1  }
0xa: {  	s3 =	sadd.s32 $0xDF800, s4;
	s7 =	smul.u32 $0x7800, s5;
	s30 =	ssub.s32 $0x2, s5  }
0xb: {  	_ =	strace $0x8000004D;
	s5 =	smul.u32 $0x1E000, s5;
	s9 =	sshrl.u32 s30, $0x1  }
0xc: {  	s8 =	sadd.s32 s8, s4;
	s6 =	sadd.s32 s7, s6;
	s31 =	ssub.s32 s30, s9  }
0xd: {  	s5 =	sadd.s32 s5, s8;
	s7 =	simm.s32 $0x2;
	s6 =	sshrl.u32 s6, $0x3  }
0xe: {  	s8 =	simm.s32 $0x80;
	s9 =	simm.s32 $0x400;
	s6 =	sadd.s32 s6, s4  }
0xf: {  	s5 =	sadd.s32 $0x10F800, s5;
	s4 =	smax.u32 s31, $0x1;
	s6 =	sadd.s32 $0x1800, s6  }
.LBB2_1:
0x10: {  	s25 =	sadd.s32 $0x0, s6  }
0x11: {  	[tilespmem:s2], [sflag:$0x2] =	stream.linear.gather [hbm4b:s25+s2], $0x400, $0x38;
	[tilespmem:$0x8400] =	vst v63  }
0x12: {  	_ =	swait.ge [sflag:s7], $0x400  }
0x13: {  	[sflag:s7] =	ssyncset.done $0x0  }
0x14: {  	[sflag:s7] =	ssyncadd.s32 $0xFFFFFC00  }
0x15: {  	[tilespmem:s9], [sflag:$0x1] =	stream.indirect.gather [hbm4b:s3+s8], $0x20, s2, s8, $0xb8;
	[tilespmem:$0x8400] =	vst v63  }
0x16: {  	_ = 	snop  }
0x17: {  	[tilespmem:s10], [sflag:$0x1] =	stream.indirect.gather [hbm4b:s3+s8], $0x20, s8, s8, $0xb8;
	[tilespmem:$0x8400] =	vst v63  }
0x18: {  	_ = 	snop  }
0x19: {  	[tilespmem:s12], [sflag:$0x1] =	stream.indirect.gather [hbm4b:s3+s8], $0x20, s11, s8, $0xb8;
	[tilespmem:$0x8400] =	vst v63  }
0x1a: {  	_ = 	snop  }
0x1b: {  	[tilespmem:s14], [sflag:$0x1] =	stream.indirect.gather [hbm4b:s3+s8], $0x20, s13, s8, $0xb8;
	[tilespmem:$0x8400] =	vst v63  }
0x1c: {  	_ = 	snop  }
0x1d: {  	[tilespmem:s16], [sflag:$0x1] =	stream.indirect.gather [hbm4b:s3+s8], $0x20, s15, s8, $0xb8;
	[tilespmem:$0x8400] =	vst v63  }
0x1e: {  	_ = 	snop  }
0x1f: {  	[tilespmem:s18], [sflag:$0x1] =	stream.indirect.gather [hbm4b:s3+s8], $0x20, s17, s8, $0xb8;
	[tilespmem:$0x8400] =	vst v63  }
0x20: {  	_ = 	snop  }
0x21: {  	[tilespmem:s20], [sflag:$0x1] =	stream.indirect.gather [hbm4b:s3+s8], $0x20, s19, s8, $0xb8;
	[tilespmem:$0x8400] =	vst v63  }
0x22: {  	_ = 	snop  }
0x23: {  	[tilespmem:s22], [sflag:$0x1] =	stream.indirect.gather [hbm4b:s3+s8], $0x20, s21, s8, $0xb8;
	[tilespmem:$0x8400] =	vst v63  }
0x24: {  	_ =	swait.ge [sflag:s23], $0x1000  }
0x25: {  	[sflag:s23] =	ssyncset.done $0x0  }
0x26: {  	[sflag:s23] =	ssyncadd.s32 $0xFFFFF000  }
0x27: {  	_ =	swait.ge [sflag:s23], $0x1000  }
0x28: {  	[sflag:s23] =	ssyncset.done $0x0  }
0x29: {  	[sflag:s23] =	ssyncadd.s32 $0xFFFFF000  }
0x2a: {  	_ =	swait.ge [sflag:s23], $0x1000  }
0x2b: {  	[sflag:s23] =	ssyncset.done $0x0  }
0x2c: {  	[sflag:s23] =	ssyncadd.s32 $0xFFFFF000  }
0x2d: {  	_ =	swait.ge [sflag:s23], $0x1000  }
0x2e: {  	[sflag:s23] =	ssyncset.done $0x0  }
0x2f: {  	[sflag:s23] =	ssyncadd.s32 $0xFFFFF000  }
0x30: {  	_ =	swait.ge [sflag:s23], $0x1000  }
0x31: {  	[sflag:s23] =	ssyncset.done $0x0  }
0x32: {  	[sflag:s23] =	ssyncadd.s32 $0xFFFFF000  }
0x33: {  	_ =	swait.ge [sflag:s23], $0x1000  }
0x34: {  	[sflag:s23] =	ssyncset.done $0x0  }
0x35: {  	[sflag:s23] =	ssyncadd.s32 $0xFFFFF000  }
0x36: {  	_ =	swait.ge [sflag:s23], $0x1000  }
0x37: {  	[sflag:s23] =	ssyncset.done $0x0  }
0x38: {  	[sflag:s23] =	ssyncadd.s32 $0xFFFFF000  }
0x39: {  	_ =	swait.ge [sflag:s23], $0x1000  }
0x3a: {  	[sflag:s23] =	ssyncset.done $0x0  }
0x3b: {  	[sflag:s23] =	ssyncadd.s32 $0xFFFFF000  }
0x3c: {  	[hbm4b:s5+s2] =	stream.linear.scatter [tilespmem:s9], [sflag:$0x2], $0x8000, $0x38;
	[tilespmem:$0x8400] =	vst v63  }
0x3d: {  	s26 =	simm.s32 $0x80;
	_ =	swait.ge [sflag:s7], $0x8000  }
0x3e: {  	s29 =	simm.s32 $0x100;
	s25 =	sadd.s32 $0x1000, s5;
	[sflag:s7] =	ssyncset.done $0x0  }
.LBB2_2:
0x3f: {  	s30 =	sadd.s32 s26, s6  }
0x40: {  	[sflag:s7] =	ssyncadd.s32 $0xFFFF8000;
	s26 =	smov.u32 s29;
	s28 =	sadd.s32 $0x80, s29  }
0x41: {  	[tilespmem:s2], [sflag:$0x2] =	stream.linear.gather [hbm4b:s30+s2], $0x400, $0x38;
	[tilespmem:$0x8400] =	vst v63  }
0x42: {  	p0 =	sne.s32 s29, $0xE80;
	_ =	swait.ge [sflag:s7], $0x400  }
0x43: {  	[sflag:s7] =	ssyncset.done $0x0  }
0x44: {  	[sflag:s7] =	ssyncadd.s32 $0xFFFFFC00  }
0x45: {  	[tilespmem:s9], [sflag:$0x1] =	stream.indirect.gather [hbm4b:s3+s8], $0x20, s2, s8, $0xb8;
	[tilespmem:$0x8400] =	vst v63  }
0x46: {  	_ = 	snop  }
0x47: {  	[tilespmem:s10], [sflag:$0x1] =	stream.indirect.gather [hbm4b:s3+s8], $0x20, s8, s8, $0xb8;
	[tilespmem:$0x8400] =	vst v63  }
0x48: {  	_ = 	snop  }
0x49: {  	[tilespmem:s12], [sflag:$0x1] =	stream.indirect.gather [hbm4b:s3+s8], $0x20, s11, s8, $0xb8;
	[tilespmem:$0x8400] =	vst v63  }
0x4a: {  	_ = 	snop  }
0x4b: {  	[tilespmem:s14], [sflag:$0x1] =	stream.indirect.gather [hbm4b:s3+s8], $0x20, s13, s8, $0xb8;
	[tilespmem:$0x8400] =	vst v63  }
0x4c: {  	_ = 	snop  }
0x4d: {  	[tilespmem:s16], [sflag:$0x1] =	stream.indirect.gather [hbm4b:s3+s8], $0x20, s15, s8, $0xb8;
	[tilespmem:$0x8400] =	vst v63  }
0x4e: {  	_ = 	snop  }
0x4f: {  	[tilespmem:s18], [sflag:$0x1] =	stream.indirect.gather [hbm4b:s3+s8], $0x20, s17, s8, $0xb8;
	[tilespmem:$0x8400] =	vst v63  }
0x50: {  	_ = 	snop  }
0x51: {  	[tilespmem:s20], [sflag:$0x1] =	stream.indirect.gather [hbm4b:s3+s8], $0x20, s19, s8, $0xb8;
	[tilespmem:$0x8400] =	vst v63  }
0x52: {  	_ = 	snop  }
0x53: {  	[tilespmem:s22], [sflag:$0x1] =	stream.indirect.gather [hbm4b:s3+s8], $0x20, s21, s8, $0xb8;
	[tilespmem:$0x8400] =	vst v63  }
0x54: {  	_ =	swait.ge [sflag:s23], $0x1000  }
0x55: {  	[sflag:s23] =	ssyncset.done $0x0  }
0x56: {  	[sflag:s23] =	ssyncadd.s32 $0xFFFFF000  }
0x57: {  	_ =	swait.ge [sflag:s23], $0x1000  }
0x58: {  	[sflag:s23] =	ssyncset.done $0x0  }
0x59: {  	[sflag:s23] =	ssyncadd.s32 $0xFFFFF000  }
0x5a: {  	_ =	swait.ge [sflag:s23], $0x1000  }
0x5b: {  	[sflag:s23] =	ssyncset.done $0x0  }
0x5c: {  	[sflag:s23] =	ssyncadd.s32 $0xFFFFF000  }
0x5d: {  	_ =	swait.ge [sflag:s23], $0x1000  }
0x5e: {  	[sflag:s23] =	ssyncset.done $0x0  }
0x5f: {  	[sflag:s23] =	ssyncadd.s32 $0xFFFFF000  }
0x60: {  	_ =	swait.ge [sflag:s23], $0x1000  }
0x61: {  	[sflag:s23] =	ssyncset.done $0x0  }
0x62: {  	[sflag:s23] =	ssyncadd.s32 $0xFFFFF000  }
0x63: {  	_ =	swait.ge [sflag:s23], $0x1000  }
0x64: {  	[sflag:s23] =	ssyncset.done $0x0  }
0x65: {  	[sflag:s23] =	ssyncadd.s32 $0xFFFFF000  }
0x66: {  	_ =	swait.ge [sflag:s23], $0x1000  }
0x67: {  	[sflag:s23] =	ssyncset.done $0x0  }
0x68: {  	[sflag:s23] =	ssyncadd.s32 $0xFFFFF000  }
0x69: {  	_ =	swait.ge [sflag:s23], $0x1000  }
.Ltmp0:
0x6a: {  	[sflag:s23] =	ssyncset.done $0x0;
	(pc) =	sbr.rel @p0 .LBB2_2-.Ltmp0, $4  }
0x6b: {  	[sflag:s23] =	ssyncadd.s32 $0xFFFFF000  }
0x6c: {  	[hbm4b:s25+s2] =	stream.linear.scatter [tilespmem:s9], [sflag:$0x2], $0x8000, $0x38;
	[tilespmem:$0x8400] =	vst v63  }
0x6d: {  	_ =	swait.ge [sflag:s7], $0x8000  }
0x6e: {  	s29 =	smov.u32 s28;
	s25 =	sadd.s32 $0x1000, s25;
	[sflag:s7] =	ssyncset.done $0x0  }
0x6f: {  	s26 =	sadd.s32 s26, s6;
	[sflag:s7] =	ssyncadd.s32 $0xFFFF8000  }
0x70: {  	[tilespmem:s2], [sflag:$0x2] =	stream.linear.gather [hbm4b:s26+s2], $0x400, $0x38;
	[tilespmem:$0x8400] =	vst v63  }
0x71: {  	_ =	swait.ge [sflag:s7], $0x400  }
0x72: {  	[sflag:s7] =	ssyncset.done $0x0  }
0x73: {  	[sflag:s7] =	ssyncadd.s32 $0xFFFFFC00  }
0x74: {  	[tilespmem:s9], [sflag:$0x1] =	stream.indirect.gather [hbm4b:s3+s8], $0x20, s2, s8, $0xb8;
	[tilespmem:$0x8400] =	vst v63  }
0x75: {  	_ = 	snop  }
0x76: {  	[tilespmem:s10], [sflag:$0x1] =	stream.indirect.gather [hbm4b:s3+s8], $0x20, s8, s8, $0xb8;
	[tilespmem:$0x8400] =	vst v63  }
0x77: {  	_ = 	snop  }
0x78: {  	[tilespmem:s12], [sflag:$0x1] =	stream.indirect.gather [hbm4b:s3+s8], $0x20, s11, s8, $0xb8;
	[tilespmem:$0x8400] =	vst v63  }
0x79: {  	_ = 	snop  }
0x7a: {  	[tilespmem:s14], [sflag:$0x1] =	stream.indirect.gather [hbm4b:s3+s8], $0x20, s13, s8, $0xb8;
	[tilespmem:$0x8400] =	vst v63  }
0x7b: {  	_ = 	snop  }
0x7c: {  	[tilespmem:s16], [sflag:$0x1] =	stream.indirect.gather [hbm4b:s3+s8], $0x20, s15, s8, $0xb8;
	[tilespmem:$0x8400] =	vst v63  }
0x7d: {  	_ = 	snop  }
0x7e: {  	[tilespmem:s18], [sflag:$0x1] =	stream.indirect.gather [hbm4b:s3+s8], $0x20, s17, s8, $0xb8;
	[tilespmem:$0x8400] =	vst v63  }
0x7f: {  	_ = 	snop  }
0x80: {  	[tilespmem:s20], [sflag:$0x1] =	stream.indirect.gather [hbm4b:s3+s8], $0x20, s19, s8, $0xb8;
	[tilespmem:$0x8400] =	vst v63  }
0x81: {  	_ = 	snop  }
0x82: {  	[tilespmem:s22], [sflag:$0x1] =	stream.indirect.gather [hbm4b:s3+s8], $0x20, s21, s8, $0xb8;
	[tilespmem:$0x8400] =	vst v63  }
0x83: {  	_ =	swait.ge [sflag:s23], $0x1000  }
0x84: {  	[sflag:s23] =	ssyncset.done $0x0  }
0x85: {  	[sflag:s23] =	ssyncadd.s32 $0xFFFFF000  }
0x86: {  	_ =	swait.ge [sflag:s23], $0x1000  }
0x87: {  	[sflag:s23] =	ssyncset.done $0x0  }
0x88: {  	[sflag:s23] =	ssyncadd.s32 $0xFFFFF000  }
0x89: {  	_ =	swait.ge [sflag:s23], $0x1000  }
0x8a: {  	[sflag:s23] =	ssyncset.done $0x0  }
0x8b: {  	[sflag:s23] =	ssyncadd.s32 $0xFFFFF000  }
0x8c: {  	_ =	swait.ge [sflag:s23], $0x1000  }
0x8d: {  	[sflag:s23] =	ssyncset.done $0x0  }
0x8e: {  	[sflag:s23] =	ssyncadd.s32 $0xFFFFF000  }
0x8f: {  	_ =	swait.ge [sflag:s23], $0x1000  }
0x90: {  	[sflag:s23] =	ssyncset.done $0x0  }
0x91: {  	[sflag:s23] =	ssyncadd.s32 $0xFFFFF000  }
0x92: {  	_ =	swait.ge [sflag:s23], $0x1000  }
0x93: {  	[sflag:s23] =	ssyncset.done $0x0  }
0x94: {  	[sflag:s23] =	ssyncadd.s32 $0xFFFFF000  }
0x95: {  	_ =	swait.ge [sflag:s23], $0x1000  }
0x96: {  	[sflag:s23] =	ssyncset.done $0x0  }
0x97: {  	[sflag:s23] =	ssyncadd.s32 $0xFFFFF000  }
0x98: {  	s24 =	sadd.s32 $0x1, s24;
	_ =	swait.ge [sflag:s23], $0x1000  }
0x99: {  	p0 =	sne.s32 s24, s4;
	[sflag:s23] =	ssyncset.done $0x0  }
.Ltmp1:
0x9a: {  	[sflag:s23] =	ssyncadd.s32 $0xFFFFF000;
	(pc) =	sbr.rel @p0 .LBB2_1-.Ltmp1, $4  }
0x9b: {  	[hbm4b:s25+s2] =	stream.linear.scatter [tilespmem:s9], [sflag:$0x2], $0x8000, $0x38;
	[tilespmem:$0x8400] =	vst v63  }
0x9c: {  	_ =	swait.ge [sflag:s7], $0x8000  }
0x9d: {  	[sflag:s7] =	ssyncset.done $0x0  }
0x9e: {  	[sflag:s7] =	ssyncadd.s32 $0xFFFF8000  }
0x9f: {  	_ =	sfence.sel $0x180000  }
0xa0: {  	[bflag:$0x0] =	sbarrier.arrive $0xFFFF  }
0xa1: {  	p0 =	sne.s32 s1, $0x0;
	_ =	strace $0x9000004D  }
0xa2: {  	s0 =	sadd.s32 @!p0 $0x100000, s0;
	[bflag:$0x2] =	sbarrier.arrive $0xFFFF  }
0xa3: {  	[sflag:s0] =	ssyncadd.tile.s32 @!p0 $0x1;
	_ =	shalt  }
.Lfunc_end2:
_tile_overlayer_lowered:
.L_overlay_start_2:
0xa4: {  	(tag) =	ssettag $0x2  }
0xa5: {  	s0 =	rddreg [dreg:$0x0];
	s2 =	stileid.u32  }
0xa6: {  	s1 =	rddreg [dreg:$0x1];
	p0 =	sne.s32 s2, $0x0  }
0xa7: {  	s3 =	rddreg [dreg:$0x2];
	[bflag:$0x3] =	sbarrier.arrive $0xFFFF;
	s2 =	simm.s32 @!p0 $0x1C02  }
0xa8: {  	[timem:s3], [sflag:s2] =	dma.local @!p0 [hbm:s0], s1  }
0xa9: {  	s0 =	simm.s32 @!p0 $0x2  }
0xaa: {  	_ =	swait.ge @!p0 [sflag:s0], s1  }
0xab: {  	s1 =	ssub.s32 @!p0 $0x0, s1;
	[sflag:s0] =	ssyncset.done @!p0 $0x0  }
0xac: {  	[sflag:s0] =	ssyncadd.s32 @!p0 s1  }
0xad: {  	[bflag:$0x3] =	sbarrier.arrive $0xFFFF  }
0xae: {  	_ =	shalt  }

</sc_bundles>
